<compile_context>
chip_gen: v7x
topology: tpu7x:2x2x1
jax: 0.10.2.dev20260603
libtpu: 0.0.44.dev20260713+nightly
codegen_flags: <defaults>
</compile_context>

<pallas_src>
import functools

import jax
import jax.numpy as jnp
from jax import lax
from jax.experimental import pallas as pl
from jax.experimental.pallas import tpu as pltpu
from jax.experimental.pallas import tpu_sc as plsc

_NUM_CORES = 2
_NUM_SUBCORES = 16
_NW = _NUM_CORES * _NUM_SUBCORES
_GCHUNK = 128

_VTS = 3584
_VTW = 3584


def _gather_sum_sc(idx_flat, emb, B, C, D):
  per_w = B // _NW
  n_idx = per_w * C
  n_full = n_idx // _GCHUNK
  tail = n_idx - n_full * _GCHUNK

  mesh = plsc.VectorSubcoreMesh(
      core_axis_name="c", subcore_axis_name="s",
      num_cores=_NUM_CORES, num_subcores=_NUM_SUBCORES)

  @functools.partial(
      pl.kernel,
      out_type=jax.ShapeDtypeStruct((B, D), jnp.float32),
      mesh=mesh,
      compiler_params=pltpu.CompilerParams(use_tc_tiling_on_sc=False),
      scratch_types=[
          pltpu.VMEM((n_idx,), jnp.int32),
          pltpu.VMEM((n_idx, D), jnp.float32),
          pltpu.VMEM((per_w, D), jnp.float32),
          pltpu.SemaphoreType.DMA,
      ],
  )
  def gather_sum(emb_hbm, idx_hbm, out_hbm, idx_v, rows_v, acc_v, sem):
    wid = lax.axis_index("s") * _NUM_CORES + lax.axis_index("c")
    base = wid * n_idx
    pltpu.sync_copy(idx_hbm.at[pl.ds(base, n_idx)], idx_v)
    copies = []
    for j in range(n_full):
      copies.append(pltpu.async_copy(
          emb_hbm.at[idx_v.at[pl.ds(j * _GCHUNK, _GCHUNK)]],
          rows_v.at[pl.ds(j * _GCHUNK, _GCHUNK)], sem))
    if tail:
      copies.append(pltpu.async_copy(
          emb_hbm.at[idx_v.at[pl.ds(n_full * _GCHUNK, tail)]],
          rows_v.at[pl.ds(n_full * _GCHUNK, tail)], sem))
    for cp in copies:
      cp.wait()

    def row_body(r, carry):
      acc = rows_v[r * C]
      for c in range(1, C):
        acc = acc + rows_v[r * C + c]
      acc_v[r] = acc
      return carry

    lax.fori_loop(0, per_w, row_body, 0)
    pltpu.sync_copy(acc_v, out_hbm.at[pl.ds(wid * per_w, per_w)])

  return gather_sum(emb, idx_flat)


def _logits_tile(x, w, bvec):
  return lax.dot_general(
      x, w, (((1,), (1,)), ((), ())),
      preferred_element_type=jnp.float32) + bvec


def _stats_body(x_ref, w_ref, b_ref, lse_ref, m_ref, s_ref):
  j = pl.program_id(0)
  nj = pl.num_programs(0)
  logits = _logits_tile(x_ref[...], w_ref[...], b_ref[...])
  tmax = jnp.max(logits, axis=1, keepdims=True)

  @pl.when(j == 0)
  def _():
    m_ref[...] = jnp.full_like(m_ref[...], -jnp.inf)
    s_ref[...] = jnp.zeros_like(s_ref[...])

  m_old = m_ref[...]
  m_new = jnp.maximum(m_old, tmax)
  s_ref[...] = (s_ref[...] * jnp.exp(m_old - m_new)
                + jnp.sum(jnp.exp(logits - m_new), axis=1, keepdims=True))
  m_ref[...] = m_new

  @pl.when(j == nj - 1)
  def _():
    lse_ref[...] = jnp.broadcast_to(
        m_ref[...] + jnp.log(s_ref[...]), lse_ref.shape)


def _out_body(x_ref, w_ref, b_ref, lse_ref, o_ref):
  o_ref[...] = (_logits_tile(x_ref[...], w_ref[...], b_ref[...])
                - lse_ref[...][:, 0:1])


def kernel(inputs, emb, W, b):
  B, C = inputs.shape
  V, D = emb.shape
  nvs = pl.cdiv(V, _VTS)
  VP = nvs * _VTS
  nvw = VP // _VTW

  idx_flat = inputs.reshape(B * C).astype(jnp.int32)
  x = _gather_sum_sc(idx_flat, emb, B, C, D)

  W_pad = jnp.pad(W, ((0, VP - V), (0, 0)))
  b_pad = jnp.pad(b, (0, VP - V), constant_values=-1e30).reshape(1, VP)

  lse = pl.pallas_call(
      _stats_body,
      grid=(nvs,),
      in_specs=[
          pl.BlockSpec((B, D), lambda j: (0, 0)),
          pl.BlockSpec((_VTS, D), lambda j: (j, 0)),
          pl.BlockSpec((1, _VTS), lambda j: (0, j)),
      ],
      out_specs=pl.BlockSpec((B, 128), lambda j: (0, 0)),
      out_shape=jax.ShapeDtypeStruct((B, 128), jnp.float32),
      scratch_shapes=[
          pltpu.VMEM((B, 1), jnp.float32),
          pltpu.VMEM((B, 1), jnp.float32),
      ],
  )(x, W_pad, b_pad)

  log_probs = pl.pallas_call(
      _out_body,
      grid=(nvw,),
      in_specs=[
          pl.BlockSpec((B, D), lambda j: (0, 0)),
          pl.BlockSpec((_VTW, D), lambda j: (j, 0)),
          pl.BlockSpec((1, _VTW), lambda j: (0, j)),
          pl.BlockSpec((B, 128), lambda j: (0, 0)),
      ],
      out_specs=pl.BlockSpec((B, _VTW), lambda j: (0, j)),
      out_shape=jax.ShapeDtypeStruct((B, V), jnp.float32),
      compiler_params=pltpu.CompilerParams(
          dimension_semantics=("parallel",)),
  )(x, W_pad, b_pad, lse)

  return log_probs

# --- scband reference (transcript-rebuilt; emitter-appended) ---
"""Pipeline reference for scband-cbow-8761733284568 (READ-ONLY COPY).

The authoritative reference and input builder live on the scoring server;
editing this copy changes nothing except your own understanding.
"""

import jax, jax.numpy as jnp
import numpy as np

VOCAB = 100000
EMBED_DIM = 16
BATCH = 1024
CTX = 50

def setup_inputs(seed: int = 0) -> dict:
    key = jax.random.key(seed)
    k_idx, k_emb, k_w, k_b = jax.random.split(key, 4)
    inputs = jax.random.randint(k_idx, (BATCH, CTX), 0, VOCAB, dtype=jnp.int64) if jax.config.jax_enable_x64 else jax.random.randint(k_idx, (BATCH, CTX), 0, VOCAB, dtype=jnp.int32)
    emb = jax.random.normal(k_emb, (VOCAB, EMBED_DIM), dtype=jnp.float32)
    # torch Linear(embedding_dim, vocab): weight [vocab, embed_dim], bias [vocab]
    W = jax.random.normal(k_w, (VOCAB, EMBED_DIM), dtype=jnp.float32) * (1.0 / np.sqrt(EMBED_DIM))
    b = jax.random.normal(k_b, (VOCAB,), dtype=jnp.float32) * 0.01
    return {"inputs": inputs, "emb": emb, "W": W, "b": b}

def reference(inputs, emb, W, b):
    # embeds = self.embeddings(inputs)  -> gather rows
    embeds = jnp.take(emb, inputs, axis=0)            # [B, CTX, D]
    # sum over context window
    sum_embeds = jnp.sum(embeds, axis=1)              # [B, D]
    # linear to vocab
    out = sum_embeds @ W.T + b                        # [B, V]
    log_probs = jax.nn.log_softmax(out, axis=1)
    return log_probs

if __name__ == "__main__":
    import jax
    _d = setup_inputs()
    print(jax.jit(kernel)(*tuple(_d.values())))

</pallas_src>

<mosaic_0001>
#map = affine_map<(d0, d1) -> (0, 0)>
#map1 = affine_map<(d0, d1) -> (0)>
module attributes {stable_mosaic.version = 14 : i64} {
  func.func @gather_sum(%arg0: i32, %arg1: i32, %arg2: memref<100000x16xf32, #tpu.memory_space<hbm>>, %arg3: memref<51200xi32, #tpu.memory_space<hbm>>, %arg4: memref<1024x16xf32, #tpu.memory_space<hbm>>, %arg5: memref<1600xi32, #tpu.memory_space<vmem>>, %arg6: memref<1600x16xf32, #tpu.memory_space<vmem>>, %arg7: memref<32x16xf32, #tpu.memory_space<vmem>>, %arg8: memref<!tpu.dma_semaphore, #tpu.memory_space<semaphore_mem>>) attributes {dimension_semantics = [#tpu.dimension_semantics<core_parallel>, #tpu.dimension_semantics<subcore_parallel>], iteration_bounds = array<i64: 2, 16>, scalar_prefetch = 0 : i64, scratch_operands = 4 : i64, tpu.core_type = #tpu.core_type<sc_vector_subcore>, window_params = [{transform_indices = #map}, {transform_indices = #map1}, {transform_indices = #map}]} {
    %mul3A = arith.constant 2 : i32
    %mul3A_0 = arith.muli %arg1, %mul3A : i32
    %add3A = arith.addi %mul3A_0, %arg0 : i32
    %mul3A_1 = arith.constant 1600 : i32
    %mul3A_2 = arith.muli %add3A, %mul3A_1 : i32
    "tpu.region"() ({
      %run_scoped3A = tpu.sem_alloc : memref<!tpu.dma_semaphore, #tpu.memory_space<semaphore_mem>>
      %dma_start3A_216 = tpu.memref_slice %arg3[%mul3A_2] : memref<51200xi32, #tpu.memory_space<hbm>> -> memref<1600xi32, #tpu.memory_space<hbm>>
      %dma_start3A_217 = tpu.memref_slice %arg3[%mul3A_2] : memref<51200xi32, #tpu.memory_space<hbm>> -> memref<1600xi32, #tpu.memory_space<hbm>>
      tpu.enqueue_dma source(%dma_start3A_217 : memref<1600xi32, #tpu.memory_space<hbm>>) target(%arg5 : memref<1600xi32, #tpu.memory_space<vmem>>) target_semaphore(%run_scoped3A : memref<!tpu.dma_semaphore, #tpu.memory_space<semaphore_mem>>)
      %dma_wait3A_218 = tpu.memref_slice %arg3[%mul3A_2] : memref<51200xi32, #tpu.memory_space<hbm>> -> memref<1600xi32, #tpu.memory_space<hbm>>
      %dma_wait3A_219 = tpu.memref_slice %arg3[%mul3A_2] : memref<51200xi32, #tpu.memory_space<hbm>> -> memref<1600xi32, #tpu.memory_space<hbm>>
      tpu.wait_dma2 semaphore(%run_scoped3A : memref<!tpu.dma_semaphore, #tpu.memory_space<semaphore_mem>>) src(%dma_wait3A_219 : memref<1600xi32, #tpu.memory_space<hbm>>) dst(%arg5 : memref<1600xi32, #tpu.memory_space<vmem>>)
      tpu.yield
    }) : () -> ()
    %dma_start3A = arith.constant 0 : i32
    %dma_start3A_3 = arith.constant 0 : i32
    %dma_start3A_4 = tpu.memref_slice %arg6[%dma_start3A, %dma_start3A_3] : memref<1600x16xf32, #tpu.memory_space<vmem>> -> memref<128x16xf32, #tpu.memory_space<vmem>>
    %dma_start3A_5 = arith.constant 0 : i32
    %dma_start3A_6 = tpu.memref_slice %arg5[%dma_start3A_5] : memref<1600xi32, #tpu.memory_space<vmem>> -> memref<128xi32, #tpu.memory_space<vmem>>
    %dma_start3A_7 = arith.constant 0 : i32
    %dma_start3A_8 = arith.constant 0 : i32
    %dma_start3A_9 = tpu.memref_slice %arg2[%dma_start3A_7, %dma_start3A_8] : memref<100000x16xf32, #tpu.memory_space<hbm>> -> memref<100000x16xf32, #tpu.memory_space<hbm>>
    tpu.enqueue_indirect_dma source(%dma_start3A_9 : memref<100000x16xf32, #tpu.memory_space<hbm>>) target(%dma_start3A_4 : memref<128x16xf32, #tpu.memory_space<vmem>>) offsets(%dma_start3A_6 : memref<128xi32, #tpu.memory_space<vmem>>) semaphore(%arg8 : memref<!tpu.dma_semaphore, #tpu.memory_space<semaphore_mem>>)
    %dma_start3A_10 = arith.constant 128 : i32
    %dma_start3A_11 = arith.constant 0 : i32
    %dma_start3A_12 = tpu.memref_slice %arg6[%dma_start3A_10, %dma_start3A_11] : memref<1600x16xf32, #tpu.memory_space<vmem>> -> memref<128x16xf32, #tpu.memory_space<vmem>>
    %dma_start3A_13 = arith.constant 128 : i32
    %dma_start3A_14 = tpu.memref_slice %arg5[%dma_start3A_13] : memref<1600xi32, #tpu.memory_space<vmem>> -> memref<128xi32, #tpu.memory_space<vmem>>
    %dma_start3A_15 = arith.constant 0 : i32
    %dma_start3A_16 = arith.constant 0 : i32
    %dma_start3A_17 = tpu.memref_slice %arg2[%dma_start3A_15, %dma_start3A_16] : memref<100000x16xf32, #tpu.memory_space<hbm>> -> memref<100000x16xf32, #tpu.memory_space<hbm>>
    tpu.enqueue_indirect_dma source(%dma_start3A_17 : memref<100000x16xf32, #tpu.memory_space<hbm>>) target(%dma_start3A_12 : memref<128x16xf32, #tpu.memory_space<vmem>>) offsets(%dma_start3A_14 : memref<128xi32, #tpu.memory_space<vmem>>) semaphore(%arg8 : memref<!tpu.dma_semaphore, #tpu.memory_space<semaphore_mem>>)
    %dma_start3A_18 = arith.constant 256 : i32
    %dma_start3A_19 = arith.constant 0 : i32
    %dma_start3A_20 = tpu.memref_slice %arg6[%dma_start3A_18, %dma_start3A_19] : memref<1600x16xf32, #tpu.memory_space<vmem>> -> memref<128x16xf32, #tpu.memory_space<vmem>>
    %dma_start3A_21 = arith.constant 256 : i32
    %dma_start3A_22 = tpu.memref_slice %arg5[%dma_start3A_21] : memref<1600xi32, #tpu.memory_space<vmem>> -> memref<128xi32, #tpu.memory_space<vmem>>
    %dma_start3A_23 = arith.constant 0 : i32
    %dma_start3A_24 = arith.constant 0 : i32
    %dma_start3A_25 = tpu.memref_slice %arg2[%dma_start3A_23, %dma_start3A_24] : memref<100000x16xf32, #tpu.memory_space<hbm>> -> memref<100000x16xf32, #tpu.memory_space<hbm>>
    tpu.enqueue_indirect_dma source(%dma_start3A_25 : memref<100000x16xf32, #tpu.memory_space<hbm>>) target(%dma_start3A_20 : memref<128x16xf32, #tpu.memory_space<vmem>>) offsets(%dma_start3A_22 : memref<128xi32, #tpu.memory_space<vmem>>) semaphore(%arg8 : memref<!tpu.dma_semaphore, #tpu.memory_space<semaphore_mem>>)
    %dma_start3A_26 = arith.constant 384 : i32
    %dma_start3A_27 = arith.constant 0 : i32
    %dma_start3A_28 = tpu.memref_slice %arg6[%dma_start3A_26, %dma_start3A_27] : memref<1600x16xf32, #tpu.memory_space<vmem>> -> memref<128x16xf32, #tpu.memory_space<vmem>>
    %dma_start3A_29 = arith.constant 384 : i32
    %dma_start3A_30 = tpu.memref_slice %arg5[%dma_start3A_29] : memref<1600xi32, #tpu.memory_space<vmem>> -> memref<128xi32, #tpu.memory_space<vmem>>
    %dma_start3A_31 = arith.constant 0 : i32
    %dma_start3A_32 = arith.constant 0 : i32
    %dma_start3A_33 = tpu.memref_slice %arg2[%dma_start3A_31, %dma_start3A_32] : memref<100000x16xf32, #tpu.memory_space<hbm>> -> memref<100000x16xf32, #tpu.memory_space<hbm>>
    tpu.enqueue_indirect_dma source(%dma_start3A_33 : memref<100000x16xf32, #tpu.memory_space<hbm>>) target(%dma_start3A_28 : memref<128x16xf32, #tpu.memory_space<vmem>>) offsets(%dma_start3A_30 : memref<128xi32, #tpu.memory_space<vmem>>) semaphore(%arg8 : memref<!tpu.dma_semaphore, #tpu.memory_space<semaphore_mem>>)
    %dma_start3A_34 = arith.constant 512 : i32
    %dma_start3A_35 = arith.constant 0 : i32
    %dma_start3A_36 = tpu.memref_slice %arg6[%dma_start3A_34, %dma_start3A_35] : memref<1600x16xf32, #tpu.memory_space<vmem>> -> memref<128x16xf32, #tpu.memory_space<vmem>>
    %dma_start3A_37 = arith.constant 512 : i32
    %dma_start3A_38 = tpu.memref_slice %arg5[%dma_start3A_37] : memref<1600xi32, #tpu.memory_space<vmem>> -> memref<128xi32, #tpu.memory_space<vmem>>
    %dma_start3A_39 = arith.constant 0 : i32
    %dma_start3A_40 = arith.constant 0 : i32
    %dma_start3A_41 = tpu.memref_slice %arg2[%dma_start3A_39, %dma_start3A_40] : memref<100000x16xf32, #tpu.memory_space<hbm>> -> memref<100000x16xf32, #tpu.memory_space<hbm>>
    tpu.enqueue_indirect_dma source(%dma_start3A_41 : memref<100000x16xf32, #tpu.memory_space<hbm>>) target(%dma_start3A_36 : memref<128x16xf32, #tpu.memory_space<vmem>>) offsets(%dma_start3A_38 : memref<128xi32, #tpu.memory_space<vmem>>) semaphore(%arg8 : memref<!tpu.dma_semaphore, #tpu.memory_space<semaphore_mem>>)
    %dma_start3A_42 = arith.constant 640 : i32
    %dma_start3A_43 = arith.constant 0 : i32
    %dma_start3A_44 = tpu.memref_slice %arg6[%dma_start3A_42, %dma_start3A_43] : memref<1600x16xf32, #tpu.memory_space<vmem>> -> memref<128x16xf32, #tpu.memory_space<vmem>>
    %dma_start3A_45 = arith.constant 640 : i32
    %dma_start3A_46 = tpu.memref_slice %arg5[%dma_start3A_45] : memref<1600xi32, #tpu.memory_space<vmem>> -> memref<128xi32, #tpu.memory_space<vmem>>
    %dma_start3A_47 = arith.constant 0 : i32
    %dma_start3A_48 = arith.constant 0 : i32
    %dma_start3A_49 = tpu.memref_slice %arg2[%dma_start3A_47, %dma_start3A_48] : memref<100000x16xf32, #tpu.memory_space<hbm>> -> memref<100000x16xf32, #tpu.memory_space<hbm>>
    tpu.enqueue_indirect_dma source(%dma_start3A_49 : memref<100000x16xf32, #tpu.memory_space<hbm>>) target(%dma_start3A_44 : memref<128x16xf32, #tpu.memory_space<vmem>>) offsets(%dma_start3A_46 : memref<128xi32, #tpu.memory_space<vmem>>) semaphore(%arg8 : memref<!tpu.dma_semaphore, #tpu.memory_space<semaphore_mem>>)
    %dma_start3A_50 = arith.constant 768 : i32
    %dma_start3A_51 = arith.constant 0 : i32
    %dma_start3A_52 = tpu.memref_slice %arg6[%dma_start3A_50, %dma_start3A_51] : memref<1600x16xf32, #tpu.memory_space<vmem>> -> memref<128x16xf32, #tpu.memory_space<vmem>>
    %dma_start3A_53 = arith.constant 768 : i32
    %dma_start3A_54 = tpu.memref_slice %arg5[%dma_start3A_53] : memref<1600xi32, #tpu.memory_space<vmem>> -> memref<128xi32, #tpu.memory_space<vmem>>
    %dma_start3A_55 = arith.constant 0 : i32
    %dma_start3A_56 = arith.constant 0 : i32
    %dma_start3A_57 = tpu.memref_slice %arg2[%dma_start3A_55, %dma_start3A_56] : memref<100000x16xf32, #tpu.memory_space<hbm>> -> memref<100000x16xf32, #tpu.memory_space<hbm>>
    tpu.enqueue_indirect_dma source(%dma_start3A_57 : memref<100000x16xf32, #tpu.memory_space<hbm>>) target(%dma_start3A_52 : memref<128x16xf32, #tpu.memory_space<vmem>>) offsets(%dma_start3A_54 : memref<128xi32, #tpu.memory_space<vmem>>) semaphore(%arg8 : memref<!tpu.dma_semaphore, #tpu.memory_space<semaphore_mem>>)
    %dma_start3A_58 = arith.constant 896 : i32
    %dma_start3A_59 = arith.constant 0 : i32
    %dma_start3A_60 = tpu.memref_slice %arg6[%dma_start3A_58, %dma_start3A_59] : memref<1600x16xf32, #tpu.memory_space<vmem>> -> memref<128x16xf32, #tpu.memory_space<vmem>>
    %dma_start3A_61 = arith.constant 896 : i32
    %dma_start3A_62 = tpu.memref_slice %arg5[%dma_start3A_61] : memref<1600xi32, #tpu.memory_space<vmem>> -> memref<128xi32, #tpu.memory_space<vmem>>
    %dma_start3A_63 = arith.constant 0 : i32
    %dma_start3A_64 = arith.constant 0 : i32
    %dma_start3A_65 = tpu.memref_slice %arg2[%dma_start3A_63, %dma_start3A_64] : memref<100000x16xf32, #tpu.memory_space<hbm>> -> memref<100000x16xf32, #tpu.memory_space<hbm>>
    tpu.enqueue_indirect_dma source(%dma_start3A_65 : memref<100000x16xf32, #tpu.memory_space<hbm>>) target(%dma_start3A_60 : memref<128x16xf32, #tpu.memory_space<vmem>>) offsets(%dma_start3A_62 : memref<128xi32, #tpu.memory_space<vmem>>) semaphore(%arg8 : memref<!tpu.dma_semaphore, #tpu.memory_space<semaphore_mem>>)
    %dma_start3A_66 = arith.constant 1024 : i32
    %dma_start3A_67 = arith.constant 0 : i32
    %dma_start3A_68 = tpu.memref_slice %arg6[%dma_start3A_66, %dma_start3A_67] : memref<1600x16xf32, #tpu.memory_space<vmem>> -> memref<128x16xf32, #tpu.memory_space<vmem>>
    %dma_start3A_69 = arith.constant 1024 : i32
    %dma_start3A_70 = tpu.memref_slice %arg5[%dma_start3A_69] : memref<1600xi32, #tpu.memory_space<vmem>> -> memref<128xi32, #tpu.memory_space<vmem>>
    %dma_start3A_71 = arith.constant 0 : i32
    %dma_start3A_72 = arith.constant 0 : i32
    %dma_start3A_73 = tpu.memref_slice %arg2[%dma_start3A_71, %dma_start3A_72] : memref<100000x16xf32, #tpu.memory_space<hbm>> -> memref<100000x16xf32, #tpu.memory_space<hbm>>
    tpu.enqueue_indirect_dma source(%dma_start3A_73 : memref<100000x16xf32, #tpu.memory_space<hbm>>) target(%dma_start3A_68 : memref<128x16xf32, #tpu.memory_space<vmem>>) offsets(%dma_start3A_70 : memref<128xi32, #tpu.memory_space<vmem>>) semaphore(%arg8 : memref<!tpu.dma_semaphore, #tpu.memory_space<semaphore_mem>>)
    %dma_start3A_74 = arith.constant 1152 : i32
    %dma_start3A_75 = arith.constant 0 : i32
    %dma_start3A_76 = tpu.memref_slice %arg6[%dma_start3A_74, %dma_start3A_75] : memref<1600x16xf32, #tpu.memory_space<vmem>> -> memref<128x16xf32, #tpu.memory_space<vmem>>
    %dma_start3A_77 = arith.constant 1152 : i32
    %dma_start3A_78 = tpu.memref_slice %arg5[%dma_start3A_77] : memref<1600xi32, #tpu.memory_space<vmem>> -> memref<128xi32, #tpu.memory_space<vmem>>
    %dma_start3A_79 = arith.constant 0 : i32
    %dma_start3A_80 = arith.constant 0 : i32
    %dma_start3A_81 = tpu.memref_slice %arg2[%dma_start3A_79, %dma_start3A_80] : memref<100000x16xf32, #tpu.memory_space<hbm>> -> memref<100000x16xf32, #tpu.memory_space<hbm>>
    tpu.enqueue_indirect_dma source(%dma_start3A_81 : memref<100000x16xf32, #tpu.memory_space<hbm>>) target(%dma_start3A_76 : memref<128x16xf32, #tpu.memory_space<vmem>>) offsets(%dma_start3A_78 : memref<128xi32, #tpu.memory_space<vmem>>) semaphore(%arg8 : memref<!tpu.dma_semaphore, #tpu.memory_space<semaphore_mem>>)
    %dma_start3A_82 = arith.constant 1280 : i32
    %dma_start3A_83 = arith.constant 0 : i32
    %dma_start3A_84 = tpu.memref_slice %arg6[%dma_start3A_82, %dma_start3A_83] : memref<1600x16xf32, #tpu.memory_space<vmem>> -> memref<128x16xf32, #tpu.memory_space<vmem>>
    %dma_start3A_85 = arith.constant 1280 : i32
    %dma_start3A_86 = tpu.memref_slice %arg5[%dma_start3A_85] : memref<1600xi32, #tpu.memory_space<vmem>> -> memref<128xi32, #tpu.memory_space<vmem>>
    %dma_start3A_87 = arith.constant 0 : i32
    %dma_start3A_88 = arith.constant 0 : i32
    %dma_start3A_89 = tpu.memref_slice %arg2[%dma_start3A_87, %dma_start3A_88] : memref<100000x16xf32, #tpu.memory_space<hbm>> -> memref<100000x16xf32, #tpu.memory_space<hbm>>
    tpu.enqueue_indirect_dma source(%dma_start3A_89 : memref<100000x16xf32, #tpu.memory_space<hbm>>) target(%dma_start3A_84 : memref<128x16xf32, #tpu.memory_space<vmem>>) offsets(%dma_start3A_86 : memref<128xi32, #tpu.memory_space<vmem>>) semaphore(%arg8 : memref<!tpu.dma_semaphore, #tpu.memory_space<semaphore_mem>>)
    %dma_start3A_90 = arith.constant 1408 : i32
    %dma_start3A_91 = arith.constant 0 : i32
    %dma_start3A_92 = tpu.memref_slice %arg6[%dma_start3A_90, %dma_start3A_91] : memref<1600x16xf32, #tpu.memory_space<vmem>> -> memref<128x16xf32, #tpu.memory_space<vmem>>
    %dma_start3A_93 = arith.constant 1408 : i32
    %dma_start3A_94 = tpu.memref_slice %arg5[%dma_start3A_93] : memref<1600xi32, #tpu.memory_space<vmem>> -> memref<128xi32, #tpu.memory_space<vmem>>
    %dma_start3A_95 = arith.constant 0 : i32
    %dma_start3A_96 = arith.constant 0 : i32
    %dma_start3A_97 = tpu.memref_slice %arg2[%dma_start3A_95, %dma_start3A_96] : memref<100000x16xf32, #tpu.memory_space<hbm>> -> memref<100000x16xf32, #tpu.memory_space<hbm>>
    tpu.enqueue_indirect_dma source(%dma_start3A_97 : memref<100000x16xf32, #tpu.memory_space<hbm>>) target(%dma_start3A_92 : memref<128x16xf32, #tpu.memory_space<vmem>>) offsets(%dma_start3A_94 : memref<128xi32, #tpu.memory_space<vmem>>) semaphore(%arg8 : memref<!tpu.dma_semaphore, #tpu.memory_space<semaphore_mem>>)
    %dma_start3A_98 = arith.constant 1536 : i32
    %dma_start3A_99 = arith.constant 0 : i32
    %dma_start3A_100 = tpu.memref_slice %arg6[%dma_start3A_98, %dma_start3A_99] : memref<1600x16xf32, #tpu.memory_space<vmem>> -> memref<64x16xf32, #tpu.memory_space<vmem>>
    %dma_start3A_101 = arith.constant 1536 : i32
    %dma_start3A_102 = tpu.memref_slice %arg5[%dma_start3A_101] : memref<1600xi32, #tpu.memory_space<vmem>> -> memref<64xi32, #tpu.memory_space<vmem>>
    %dma_start3A_103 = arith.constant 0 : i32
    %dma_start3A_104 = arith.constant 0 : i32
    %dma_start3A_105 = tpu.memref_slice %arg2[%dma_start3A_103, %dma_start3A_104] : memref<100000x16xf32, #tpu.memory_space<hbm>> -> memref<100000x16xf32, #tpu.memory_space<hbm>>
    tpu.enqueue_indirect_dma source(%dma_start3A_105 : memref<100000x16xf32, #tpu.memory_space<hbm>>) target(%dma_start3A_100 : memref<64x16xf32, #tpu.memory_space<vmem>>) offsets(%dma_start3A_102 : memref<64xi32, #tpu.memory_space<vmem>>) semaphore(%arg8 : memref<!tpu.dma_semaphore, #tpu.memory_space<semaphore_mem>>)
    %dma_wait3A = arith.constant 0 : i32
    %dma_wait3A_106 = arith.constant 0 : i32
    %dma_wait3A_107 = tpu.memref_slice %arg6[%dma_wait3A, %dma_wait3A_106] : memref<1600x16xf32, #tpu.memory_space<vmem>> -> memref<128x16xf32, #tpu.memory_space<vmem>>
    %dma_wait3A_108 = arith.constant 0 : i32
    %dma_wait3A_109 = tpu.memref_slice %arg5[%dma_wait3A_108] : memref<1600xi32, #tpu.memory_space<vmem>> -> memref<128xi32, #tpu.memory_space<vmem>>
    %dma_wait3A_110 = arith.constant 0 : i32
    %dma_wait3A_111 = arith.constant 0 : i32
    %dma_wait3A_112 = tpu.memref_slice %arg2[%dma_wait3A_110, %dma_wait3A_111] : memref<100000x16xf32, #tpu.memory_space<hbm>> -> memref<100000x16xf32, #tpu.memory_space<hbm>>
    tpu.wait_indirect_dma semaphore(%arg8 : memref<!tpu.dma_semaphore, #tpu.memory_space<semaphore_mem>>) src(%dma_wait3A_112 : memref<100000x16xf32, #tpu.memory_space<hbm>>) dst(%dma_wait3A_107 : memref<128x16xf32, #tpu.memory_space<vmem>>)
    %dma_wait3A_113 = arith.constant 128 : i32
    %dma_wait3A_114 = arith.constant 0 : i32
    %dma_wait3A_115 = tpu.memref_slice %arg6[%dma_wait3A_113, %dma_wait3A_114] : memref<1600x16xf32, #tpu.memory_space<vmem>> -> memref<128x16xf32, #tpu.memory_space<vmem>>
    %dma_wait3A_116 = arith.constant 128 : i32
    %dma_wait3A_117 = tpu.memref_slice %arg5[%dma_wait3A_116] : memref<1600xi32, #tpu.memory_space<vmem>> -> memref<128xi32, #tpu.memory_space<vmem>>
    %dma_wait3A_118 = arith.constant 0 : i32
    %dma_wait3A_119 = arith.constant 0 : i32
    %dma_wait3A_120 = tpu.memref_slice %arg2[%dma_wait3A_118, %dma_wait3A_119] : memref<100000x16xf32, #tpu.memory_space<hbm>> -> memref<100000x16xf32, #tpu.memory_space<hbm>>
    tpu.wait_indirect_dma semaphore(%arg8 : memref<!tpu.dma_semaphore, #tpu.memory_space<semaphore_mem>>) src(%dma_wait3A_120 : memref<100000x16xf32, #tpu.memory_space<hbm>>) dst(%dma_wait3A_115 : memref<128x16xf32, #tpu.memory_space<vmem>>)
    %dma_wait3A_121 = arith.constant 256 : i32
    %dma_wait3A_122 = arith.constant 0 : i32
    %dma_wait3A_123 = tpu.memref_slice %arg6[%dma_wait3A_121, %dma_wait3A_122] : memref<1600x16xf32, #tpu.memory_space<vmem>> -> memref<128x16xf32, #tpu.memory_space<vmem>>
    %dma_wait3A_124 = arith.constant 256 : i32
    %dma_wait3A_125 = tpu.memref_slice %arg5[%dma_wait3A_124] : memref<1600xi32, #tpu.memory_space<vmem>> -> memref<128xi32, #tpu.memory_space<vmem>>
    %dma_wait3A_126 = arith.constant 0 : i32
    %dma_wait3A_127 = arith.constant 0 : i32
    %dma_wait3A_128 = tpu.memref_slice %arg2[%dma_wait3A_126, %dma_wait3A_127] : memref<100000x16xf32, #tpu.memory_space<hbm>> -> memref<100000x16xf32, #tpu.memory_space<hbm>>
    tpu.wait_indirect_dma semaphore(%arg8 : memref<!tpu.dma_semaphore, #tpu.memory_space<semaphore_mem>>) src(%dma_wait3A_128 : memref<100000x16xf32, #tpu.memory_space<hbm>>) dst(%dma_wait3A_123 : memref<128x16xf32, #tpu.memory_space<vmem>>)
    %dma_wait3A_129 = arith.constant 384 : i32
    %dma_wait3A_130 = arith.constant 0 : i32
    %dma_wait3A_131 = tpu.memref_slice %arg6[%dma_wait3A_129, %dma_wait3A_130] : memref<1600x16xf32, #tpu.memory_space<vmem>> -> memref<128x16xf32, #tpu.memory_space<vmem>>
    %dma_wait3A_132 = arith.constant 384 : i32
    %dma_wait3A_133 = tpu.memref_slice %arg5[%dma_wait3A_132] : memref<1600xi32, #tpu.memory_space<vmem>> -> memref<128xi32, #tpu.memory_space<vmem>>
    %dma_wait3A_134 = arith.constant 0 : i32
    %dma_wait3A_135 = arith.constant 0 : i32
    %dma_wait3A_136 = tpu.memref_slice %arg2[%dma_wait3A_134, %dma_wait3A_135] : memref<100000x16xf32, #tpu.memory_space<hbm>> -> memref<100000x16xf32, #tpu.memory_space<hbm>>
    tpu.wait_indirect_dma semaphore(%arg8 : memref<!tpu.dma_semaphore, #tpu.memory_space<semaphore_mem>>) src(%dma_wait3A_136 : memref<100000x16xf32, #tpu.memory_space<hbm>>) dst(%dma_wait3A_131 : memref<128x16xf32, #tpu.memory_space<vmem>>)
    %dma_wait3A_137 = arith.constant 512 : i32
    %dma_wait3A_138 = arith.constant 0 : i32
    %dma_wait3A_139 = tpu.memref_slice %arg6[%dma_wait3A_137, %dma_wait3A_138] : memref<1600x16xf32, #tpu.memory_space<vmem>> -> memref<128x16xf32, #tpu.memory_space<vmem>>
    %dma_wait3A_140 = arith.constant 512 : i32
    %dma_wait3A_141 = tpu.memref_slice %arg5[%dma_wait3A_140] : memref<1600xi32, #tpu.memory_space<vmem>> -> memref<128xi32, #tpu.memory_space<vmem>>
    %dma_wait3A_142 = arith.constant 0 : i32
    %dma_wait3A_143 = arith.constant 0 : i32
    %dma_wait3A_144 = tpu.memref_slice %arg2[%dma_wait3A_142, %dma_wait3A_143] : memref<100000x16xf32, #tpu.memory_space<hbm>> -> memref<100000x16xf32, #tpu.memory_space<hbm>>
    tpu.wait_indirect_dma semaphore(%arg8 : memref<!tpu.dma_semaphore, #tpu.memory_space<semaphore_mem>>) src(%dma_wait3A_144 : memref<100000x16xf32, #tpu.memory_space<hbm>>) dst(%dma_wait3A_139 : memref<128x16xf32, #tpu.memory_space<vmem>>)
    %dma_wait3A_145 = arith.constant 640 : i32
    %dma_wait3A_146 = arith.constant 0 : i32
    %dma_wait3A_147 = tpu.memref_slice %arg6[%dma_wait3A_145, %dma_wait3A_146] : memref<1600x16xf32, #tpu.memory_space<vmem>> -> memref<128x16xf32, #tpu.memory_space<vmem>>
    %dma_wait3A_148 = arith.constant 640 : i32
    %dma_wait3A_149 = tpu.memref_slice %arg5[%dma_wait3A_148] : memref<1600xi32, #tpu.memory_space<vmem>> -> memref<128xi32, #tpu.memory_space<vmem>>
    %dma_wait3A_150 = arith.constant 0 : i32
    %dma_wait3A_151 = arith.constant 0 : i32
    %dma_wait3A_152 = tpu.memref_slice %arg2[%dma_wait3A_150, %dma_wait3A_151] : memref<100000x16xf32, #tpu.memory_space<hbm>> -> memref<100000x16xf32, #tpu.memory_space<hbm>>
    tpu.wait_indirect_dma semaphore(%arg8 : memref<!tpu.dma_semaphore, #tpu.memory_space<semaphore_mem>>) src(%dma_wait3A_152 : memref<100000x16xf32, #tpu.memory_space<hbm>>) dst(%dma_wait3A_147 : memref<128x16xf32, #tpu.memory_space<vmem>>)
    %dma_wait3A_153 = arith.constant 768 : i32
    %dma_wait3A_154 = arith.constant 0 : i32
    %dma_wait3A_155 = tpu.memref_slice %arg6[%dma_wait3A_153, %dma_wait3A_154] : memref<1600x16xf32, #tpu.memory_space<vmem>> -> memref<128x16xf32, #tpu.memory_space<vmem>>
    %dma_wait3A_156 = arith.constant 768 : i32
    %dma_wait3A_157 = tpu.memref_slice %arg5[%dma_wait3A_156] : memref<1600xi32, #tpu.memory_space<vmem>> -> memref<128xi32, #tpu.memory_space<vmem>>
    %dma_wait3A_158 = arith.constant 0 : i32
    %dma_wait3A_159 = arith.constant 0 : i32
    %dma_wait3A_160 = tpu.memref_slice %arg2[%dma_wait3A_158, %dma_wait3A_159] : memref<100000x16xf32, #tpu.memory_space<hbm>> -> memref<100000x16xf32, #tpu.memory_space<hbm>>
    tpu.wait_indirect_dma semaphore(%arg8 : memref<!tpu.dma_semaphore, #tpu.memory_space<semaphore_mem>>) src(%dma_wait3A_160 : memref<100000x16xf32, #tpu.memory_space<hbm>>) dst(%dma_wait3A_155 : memref<128x16xf32, #tpu.memory_space<vmem>>)
    %dma_wait3A_161 = arith.constant 896 : i32
    %dma_wait3A_162 = arith.constant 0 : i32
    %dma_wait3A_163 = tpu.memref_slice %arg6[%dma_wait3A_161, %dma_wait3A_162] : memref<1600x16xf32, #tpu.memory_space<vmem>> -> memref<128x16xf32, #tpu.memory_space<vmem>>
    %dma_wait3A_164 = arith.constant 896 : i32
    %dma_wait3A_165 = tpu.memref_slice %arg5[%dma_wait3A_164] : memref<1600xi32, #tpu.memory_space<vmem>> -> memref<128xi32, #tpu.memory_space<vmem>>
    %dma_wait3A_166 = arith.constant 0 : i32
    %dma_wait3A_167 = arith.constant 0 : i32
    %dma_wait3A_168 = tpu.memref_slice %arg2[%dma_wait3A_166, %dma_wait3A_167] : memref<100000x16xf32, #tpu.memory_space<hbm>> -> memref<100000x16xf32, #tpu.memory_space<hbm>>
    tpu.wait_indirect_dma semaphore(%arg8 : memref<!tpu.dma_semaphore, #tpu.memory_space<semaphore_mem>>) src(%dma_wait3A_168 : memref<100000x16xf32, #tpu.memory_space<hbm>>) dst(%dma_wait3A_163 : memref<128x16xf32, #tpu.memory_space<vmem>>)
    %dma_wait3A_169 = arith.constant 1024 : i32
    %dma_wait3A_170 = arith.constant 0 : i32
    %dma_wait3A_171 = tpu.memref_slice %arg6[%dma_wait3A_169, %dma_wait3A_170] : memref<1600x16xf32, #tpu.memory_space<vmem>> -> memref<128x16xf32, #tpu.memory_space<vmem>>
    %dma_wait3A_172 = arith.constant 1024 : i32
    %dma_wait3A_173 = tpu.memref_slice %arg5[%dma_wait3A_172] : memref<1600xi32, #tpu.memory_space<vmem>> -> memref<128xi32, #tpu.memory_space<vmem>>
    %dma_wait3A_174 = arith.constant 0 : i32
    %dma_wait3A_175 = arith.constant 0 : i32
    %dma_wait3A_176 = tpu.memref_slice %arg2[%dma_wait3A_174, %dma_wait3A_175] : memref<100000x16xf32, #tpu.memory_space<hbm>> -> memref<100000x16xf32, #tpu.memory_space<hbm>>
    tpu.wait_indirect_dma semaphore(%arg8 : memref<!tpu.dma_semaphore, #tpu.memory_space<semaphore_mem>>) src(%dma_wait3A_176 : memref<100000x16xf32, #tpu.memory_space<hbm>>) dst(%dma_wait3A_171 : memref<128x16xf32, #tpu.memory_space<vmem>>)
    %dma_wait3A_177 = arith.constant 1152 : i32
    %dma_wait3A_178 = arith.constant 0 : i32
    %dma_wait3A_179 = tpu.memref_slice %arg6[%dma_wait3A_177, %dma_wait3A_178] : memref<1600x16xf32, #tpu.memory_space<vmem>> -> memref<128x16xf32, #tpu.memory_space<vmem>>
    %dma_wait3A_180 = arith.constant 1152 : i32
    %dma_wait3A_181 = tpu.memref_slice %arg5[%dma_wait3A_180] : memref<1600xi32, #tpu.memory_space<vmem>> -> memref<128xi32, #tpu.memory_space<vmem>>
    %dma_wait3A_182 = arith.constant 0 : i32
    %dma_wait3A_183 = arith.constant 0 : i32
    %dma_wait3A_184 = tpu.memref_slice %arg2[%dma_wait3A_182, %dma_wait3A_183] : memref<100000x16xf32, #tpu.memory_space<hbm>> -> memref<100000x16xf32, #tpu.memory_space<hbm>>
    tpu.wait_indirect_dma semaphore(%arg8 : memref<!tpu.dma_semaphore, #tpu.memory_space<semaphore_mem>>) src(%dma_wait3A_184 : memref<100000x16xf32, #tpu.memory_space<hbm>>) dst(%dma_wait3A_179 : memref<128x16xf32, #tpu.memory_space<vmem>>)
    %dma_wait3A_185 = arith.constant 1280 : i32
    %dma_wait3A_186 = arith.constant 0 : i32
    %dma_wait3A_187 = tpu.memref_slice %arg6[%dma_wait3A_185, %dma_wait3A_186] : memref<1600x16xf32, #tpu.memory_space<vmem>> -> memref<128x16xf32, #tpu.memory_space<vmem>>
    %dma_wait3A_188 = arith.constant 1280 : i32
    %dma_wait3A_189 = tpu.memref_slice %arg5[%dma_wait3A_188] : memref<1600xi32, #tpu.memory_space<vmem>> -> memref<128xi32, #tpu.memory_space<vmem>>
    %dma_wait3A_190 = arith.constant 0 : i32
    %dma_wait3A_191 = arith.constant 0 : i32
    %dma_wait3A_192 = tpu.memref_slice %arg2[%dma_wait3A_190, %dma_wait3A_191] : memref<100000x16xf32, #tpu.memory_space<hbm>> -> memref<100000x16xf32, #tpu.memory_space<hbm>>
    tpu.wait_indirect_dma semaphore(%arg8 : memref<!tpu.dma_semaphore, #tpu.memory_space<semaphore_mem>>) src(%dma_wait3A_192 : memref<100000x16xf32, #tpu.memory_space<hbm>>) dst(%dma_wait3A_187 : memref<128x16xf32, #tpu.memory_space<vmem>>)
    %dma_wait3A_193 = arith.constant 1408 : i32
    %dma_wait3A_194 = arith.constant 0 : i32
    %dma_wait3A_195 = tpu.memref_slice %arg6[%dma_wait3A_193, %dma_wait3A_194] : memref<1600x16xf32, #tpu.memory_space<vmem>> -> memref<128x16xf32, #tpu.memory_space<vmem>>
    %dma_wait3A_196 = arith.constant 1408 : i32
    %dma_wait3A_197 = tpu.memref_slice %arg5[%dma_wait3A_196] : memref<1600xi32, #tpu.memory_space<vmem>> -> memref<128xi32, #tpu.memory_space<vmem>>
    %dma_wait3A_198 = arith.constant 0 : i32
    %dma_wait3A_199 = arith.constant 0 : i32
    %dma_wait3A_200 = tpu.memref_slice %arg2[%dma_wait3A_198, %dma_wait3A_199] : memref<100000x16xf32, #tpu.memory_space<hbm>> -> memref<100000x16xf32, #tpu.memory_space<hbm>>
    tpu.wait_indirect_dma semaphore(%arg8 : memref<!tpu.dma_semaphore, #tpu.memory_space<semaphore_mem>>) src(%dma_wait3A_200 : memref<100000x16xf32, #tpu.memory_space<hbm>>) dst(%dma_wait3A_195 : memref<128x16xf32, #tpu.memory_space<vmem>>)
    %dma_wait3A_201 = arith.constant 1536 : i32
    %dma_wait3A_202 = arith.constant 0 : i32
    %dma_wait3A_203 = tpu.memref_slice %arg6[%dma_wait3A_201, %dma_wait3A_202] : memref<1600x16xf32, #tpu.memory_space<vmem>> -> memref<64x16xf32, #tpu.memory_space<vmem>>
    %dma_wait3A_204 = arith.constant 1536 : i32
    %dma_wait3A_205 = tpu.memref_slice %arg5[%dma_wait3A_204] : memref<1600xi32, #tpu.memory_space<vmem>> -> memref<64xi32, #tpu.memory_space<vmem>>
    %dma_wait3A_206 = arith.constant 0 : i32
    %dma_wait3A_207 = arith.constant 0 : i32
    %dma_wait3A_208 = tpu.memref_slice %arg2[%dma_wait3A_206, %dma_wait3A_207] : memref<100000x16xf32, #tpu.memory_space<hbm>> -> memref<100000x16xf32, #tpu.memory_space<hbm>>
    tpu.wait_indirect_dma semaphore(%arg8 : memref<!tpu.dma_semaphore, #tpu.memory_space<semaphore_mem>>) src(%dma_wait3A_208 : memref<100000x16xf32, #tpu.memory_space<hbm>>) dst(%dma_wait3A_203 : memref<64x16xf32, #tpu.memory_space<vmem>>)
    %scan3A = arith.constant 0 : i32
    %scan3A_209 = arith.constant 0 : i32
    %scan3A_210 = arith.constant 32 : i32
    %scan3A_211 = arith.addi %scan3A_209, %scan3A_210 : i32
    %scan3A_212 = arith.constant 1 : i32
    scf.for %scan3A_216 = %scan3A_209 to %scan3A_211 step %scan3A_212  : i32 {
      %mul3A_217 = arith.constant 50 : i32
      %mul3A_218 = arith.muli %scan3A_216, %mul3A_217 : i32
      %get3A = arith.index_cast %mul3A_218 : i32 to index
      %get3A_219 = arith.constant 0 : index
      %get3A_220 = tpu.vector_load %arg6[%get3A, %get3A_219] {strides = array<i32>} : memref<1600x16xf32, #tpu.memory_space<vmem>>, vector<1x16xf32>,
      %get3A_221 = vector.shape_cast %get3A_220 : vector<1x16xf32> to vector<16xf32>
      %mul3A_222 = arith.constant 50 : i32
      %mul3A_223 = arith.muli %scan3A_216, %mul3A_222 : i32
      %add3A_224 = arith.constant 1 : i32
      %add3A_225 = arith.addi %mul3A_223, %add3A_224 : i32
      %get3A_226 = arith.index_cast %add3A_225 : i32 to index
      %get3A_227 = arith.constant 0 : index
      %get3A_228 = tpu.vector_load %arg6[%get3A_226, %get3A_227] {strides = array<i32>} : memref<1600x16xf32, #tpu.memory_space<vmem>>, vector<1x16xf32>,
      %get3A_229 = vector.shape_cast %get3A_228 : vector<1x16xf32> to vector<16xf32>
      %add3A_230 = arith.addf %get3A_221, %get3A_229 : vector<16xf32>
      %mul3A_231 = arith.constant 50 : i32
      %mul3A_232 = arith.muli %scan3A_216, %mul3A_231 : i32
      %add3A_233 = arith.constant 2 : i32
      %add3A_234 = arith.addi %mul3A_232, %add3A_233 : i32
      %get3A_235 = arith.index_cast %add3A_234 : i32 to index
      %get3A_236 = arith.constant 0 : index
      %get3A_237 = tpu.vector_load %arg6[%get3A_235, %get3A_236] {strides = array<i32>} : memref<1600x16xf32, #tpu.memory_space<vmem>>, vector<1x16xf32>,
      %get3A_238 = vector.shape_cast %get3A_237 : vector<1x16xf32> to vector<16xf32>
      %add3A_239 = arith.addf %add3A_230, %get3A_238 : vector<16xf32>
      %mul3A_240 = arith.constant 50 : i32
      %mul3A_241 = arith.muli %scan3A_216, %mul3A_240 : i32
      %add3A_242 = arith.constant 3 : i32
      %add3A_243 = arith.addi %mul3A_241, %add3A_242 : i32
      %get3A_244 = arith.index_cast %add3A_243 : i32 to index
      %get3A_245 = arith.constant 0 : index
      %get3A_246 = tpu.vector_load %arg6[%get3A_244, %get3A_245] {strides = array<i32>} : memref<1600x16xf32, #tpu.memory_space<vmem>>, vector<1x16xf32>,
      %get3A_247 = vector.shape_cast %get3A_246 : vector<1x16xf32> to vector<16xf32>
      %add3A_248 = arith.addf %add3A_239, %get3A_247 : vector<16xf32>
      %mul3A_249 = arith.constant 50 : i32
      %mul3A_250 = arith.muli %scan3A_216, %mul3A_249 : i32
      %add3A_251 = arith.constant 4 : i32
      %add3A_252 = arith.addi %mul3A_250, %add3A_251 : i32
      %get3A_253 = arith.index_cast %add3A_252 : i32 to index
      %get3A_254 = arith.constant 0 : index
      %get3A_255 = tpu.vector_load %arg6[%get3A_253, %get3A_254] {strides = array<i32>} : memref<1600x16xf32, #tpu.memory_space<vmem>>, vector<1x16xf32>,
      %get3A_256 = vector.shape_cast %get3A_255 : vector<1x16xf32> to vector<16xf32>
      %add3A_257 = arith.addf %add3A_248, %get3A_256 : vector<16xf32>
      %mul3A_258 = arith.constant 50 : i32
      %mul3A_259 = arith.muli %scan3A_216, %mul3A_258 : i32
      %add3A_260 = arith.constant 5 : i32
      %add3A_261 = arith.addi %mul3A_259, %add3A_260 : i32
      %get3A_262 = arith.index_cast %add3A_261 : i32 to index
      %get3A_263 = arith.constant 0 : index
      %get3A_264 = tpu.vector_load %arg6[%get3A_262, %get3A_263] {strides = array<i32>} : memref<1600x16xf32, #tpu.memory_space<vmem>>, vector<1x16xf32>,
      %get3A_265 = vector.shape_cast %get3A_264 : vector<1x16xf32> to vector<16xf32>
      %add3A_266 = arith.addf %add3A_257, %get3A_265 : vector<16xf32>
      %mul3A_267 = arith.constant 50 : i32
      %mul3A_268 = arith.muli %scan3A_216, %mul3A_267 : i32
      %add3A_269 = arith.constant 6 : i32
      %add3A_270 = arith.addi %mul3A_268, %add3A_269 : i32
      %get3A_271 = arith.index_cast %add3A_270 : i32 to index
      %get3A_272 = arith.constant 0 : index
      %get3A_273 = tpu.vector_load %arg6[%get3A_271, %get3A_272] {strides = array<i32>} : memref<1600x16xf32, #tpu.memory_space<vmem>>, vector<1x16xf32>,
      %get3A_274 = vector.shape_cast %get3A_273 : vector<1x16xf32> to vector<16xf32>
      %add3A_275 = arith.addf %add3A_266, %get3A_274 : vector<16xf32>
      %mul3A_276 = arith.constant 50 : i32
      %mul3A_277 = arith.muli %scan3A_216, %mul3A_276 : i32
      %add3A_278 = arith.constant 7 : i32
      %add3A_279 = arith.addi %mul3A_277, %add3A_278 : i32
      %get3A_280 = arith.index_cast %add3A_279 : i32 to index
      %get3A_281 = arith.constant 0 : index
      %get3A_282 = tpu.vector_load %arg6[%get3A_280, %get3A_281] {strides = array<i32>} : memref<1600x16xf32, #tpu.memory_space<vmem>>, vector<1x16xf32>,
      %get3A_283 = vector.shape_cast %get3A_282 : vector<1x16xf32> to vector<16xf32>
      %add3A_284 = arith.addf %add3A_275, %get3A_283 : vector<16xf32>
      %mul3A_285 = arith.constant 50 : i32
      %mul3A_286 = arith.muli %scan3A_216, %mul3A_285 : i32
      %add3A_287 = arith.constant 8 : i32
      %add3A_288 = arith.addi %mul3A_286, %add3A_287 : i32
      %get3A_289 = arith.index_cast %add3A_288 : i32 to index
      %get3A_290 = arith.constant 0 : index
      %get3A_291 = tpu.vector_load %arg6[%get3A_289, %get3A_290] {strides = array<i32>} : memref<1600x16xf32, #tpu.memory_space<vmem>>, vector<1x16xf32>,
      %get3A_292 = vector.shape_cast %get3A_291 : vector<1x16xf32> to vector<16xf32>
      %add3A_293 = arith.addf %add3A_284, %get3A_292 : vector<16xf32>
      %mul3A_294 = arith.constant 50 : i32
      %mul3A_295 = arith.muli %scan3A_216, %mul3A_294 : i32
      %add3A_296 = arith.constant 9 : i32
      %add3A_297 = arith.addi %mul3A_295, %add3A_296 : i32
      %get3A_298 = arith.index_cast %add3A_297 : i32 to index
      %get3A_299 = arith.constant 0 : index
      %get3A_300 = tpu.vector_load %arg6[%get3A_298, %get3A_299] {strides = array<i32>} : memref<1600x16xf32, #tpu.memory_space<vmem>>, vector<1x16xf32>,
      %get3A_301 = vector.shape_cast %get3A_300 : vector<1x16xf32> to vector<16xf32>
      %add3A_302 = arith.addf %add3A_293, %get3A_301 : vector<16xf32>
      %mul3A_303 = arith.constant 50 : i32
      %mul3A_304 = arith.muli %scan3A_216, %mul3A_303 : i32
      %add3A_305 = arith.constant 10 : i32
      %add3A_306 = arith.addi %mul3A_304, %add3A_305 : i32
      %get3A_307 = arith.index_cast %add3A_306 : i32 to index
      %get3A_308 = arith.constant 0 : index
      %get3A_309 = tpu.vector_load %arg6[%get3A_307, %get3A_308] {strides = array<i32>} : memref<1600x16xf32, #tpu.memory_space<vmem>>, vector<1x16xf32>,
      %get3A_310 = vector.shape_cast %get3A_309 : vector<1x16xf32> to vector<16xf32>
      %add3A_311 = arith.addf %add3A_302, %get3A_310 : vector<16xf32>
      %mul3A_312 = arith.constant 50 : i32
      %mul3A_313 = arith.muli %scan3A_216, %mul3A_312 : i32
      %add3A_314 = arith.constant 11 : i32
      %add3A_315 = arith.addi %mul3A_313, %add3A_314 : i32
      %get3A_316 = arith.index_cast %add3A_315 : i32 to index
      %get3A_317 = arith.constant 0 : index
      %get3A_318 = tpu.vector_load %arg6[%get3A_316, %get3A_317] {strides = array<i32>} : memref<1600x16xf32, #tpu.memory_space<vmem>>, vector<1x16xf32>,
      %get3A_319 = vector.shape_cast %get3A_318 : vector<1x16xf32> to vector<16xf32>
      %add3A_320 = arith.addf %add3A_311, %get3A_319 : vector<16xf32>
      %mul3A_321 = arith.constant 50 : i32
      %mul3A_322 = arith.muli %scan3A_216, %mul3A_321 : i32
      %add3A_323 = arith.constant 12 : i32
      %add3A_324 = arith.addi %mul3A_322, %add3A_323 : i32
      %get3A_325 = arith.index_cast %add3A_324 : i32 to index
      %get3A_326 = arith.constant 0 : index
      %get3A_327 = tpu.vector_load %arg6[%get3A_325, %get3A_326] {strides = array<i32>} : memref<1600x16xf32, #tpu.memory_space<vmem>>, vector<1x16xf32>,
      %get3A_328 = vector.shape_cast %get3A_327 : vector<1x16xf32> to vector<16xf32>
      %add3A_329 = arith.addf %add3A_320, %get3A_328 : vector<16xf32>
      %mul3A_330 = arith.constant 50 : i32
      %mul3A_331 = arith.muli %scan3A_216, %mul3A_330 : i32
      %add3A_332 = arith.constant 13 : i32
      %add3A_333 = arith.addi %mul3A_331, %add3A_332 : i32
      %get3A_334 = arith.index_cast %add3A_333 : i32 to index
      %get3A_335 = arith.constant 0 : index
      %get3A_336 = tpu.vector_load %arg6[%get3A_334, %get3A_335] {strides = array<i32>} : memref<1600x16xf32, #tpu.memory_space<vmem>>, vector<1x16xf32>,
      %get3A_337 = vector.shape_cast %get3A_336 : vector<1x16xf32> to vector<16xf32>
      %add3A_338 = arith.addf %add3A_329, %get3A_337 : vector<16xf32>
      %mul3A_339 = arith.constant 50 : i32
      %mul3A_340 = arith.muli %scan3A_216, %mul3A_339 : i32
      %add3A_341 = arith.constant 14 : i32
      %add3A_342 = arith.addi %mul3A_340, %add3A_341 : i32
      %get3A_343 = arith.index_cast %add3A_342 : i32 to index
      %get3A_344 = arith.constant 0 : index
      %get3A_345 = tpu.vector_load %arg6[%get3A_343, %get3A_344] {strides = array<i32>} : memref<1600x16xf32, #tpu.memory_space<vmem>>, vector<1x16xf32>,
      %get3A_346 = vector.shape_cast %get3A_345 : vector<1x16xf32> to vector<16xf32>
      %add3A_347 = arith.addf %add3A_338, %get3A_346 : vector<16xf32>
      %mul3A_348 = arith.constant 50 : i32
      %mul3A_349 = arith.muli %scan3A_216, %mul3A_348 : i32
      %add3A_350 = arith.constant 15 : i32
      %add3A_351 = arith.addi %mul3A_349, %add3A_350 : i32
      %get3A_352 = arith.index_cast %add3A_351 : i32 to index
      %get3A_353 = arith.constant 0 : index
      %get3A_354 = tpu.vector_load %arg6[%get3A_352, %get3A_353] {strides = array<i32>} : memref<1600x16xf32, #tpu.memory_space<vmem>>, vector<1x16xf32>,
      %get3A_355 = vector.shape_cast %get3A_354 : vector<1x16xf32> to vector<16xf32>
      %add3A_356 = arith.addf %add3A_347, %get3A_355 : vector<16xf32>
      %mul3A_357 = arith.constant 50 : i32
      %mul3A_358 = arith.muli %scan3A_216, %mul3A_357 : i32
      %add3A_359 = arith.constant 16 : i32
      %add3A_360 = arith.addi %mul3A_358, %add3A_359 : i32
      %get3A_361 = arith.index_cast %add3A_360 : i32 to index
      %get3A_362 = arith.constant 0 : index
      %get3A_363 = tpu.vector_load %arg6[%get3A_361, %get3A_362] {strides = array<i32>} : memref<1600x16xf32, #tpu.memory_space<vmem>>, vector<1x16xf32>,
      %get3A_364 = vector.shape_cast %get3A_363 : vector<1x16xf32> to vector<16xf32>
      %add3A_365 = arith.addf %add3A_356, %get3A_364 : vector<16xf32>
      %mul3A_366 = arith.constant 50 : i32
      %mul3A_367 = arith.muli %scan3A_216, %mul3A_366 : i32
      %add3A_368 = arith.constant 17 : i32
      %add3A_369 = arith.addi %mul3A_367, %add3A_368 : i32
      %get3A_370 = arith.index_cast %add3A_369 : i32 to index
      %get3A_371 = arith.constant 0 : index
      %get3A_372 = tpu.vector_load %arg6[%get3A_370, %get3A_371] {strides = array<i32>} : memref<1600x16xf32, #tpu.memory_space<vmem>>, vector<1x16xf32>,
      %get3A_373 = vector.shape_cast %get3A_372 : vector<1x16xf32> to vector<16xf32>
      %add3A_374 = arith.addf %add3A_365, %get3A_373 : vector<16xf32>
      %mul3A_375 = arith.constant 50 : i32
      %mul3A_376 = arith.muli %scan3A_216, %mul3A_375 : i32
      %add3A_377 = arith.constant 18 : i32
      %add3A_378 = arith.addi %mul3A_376, %add3A_377 : i32
      %get3A_379 = arith.index_cast %add3A_378 : i32 to index
      %get3A_380 = arith.constant 0 : index
      %get3A_381 = tpu.vector_load %arg6[%get3A_379, %get3A_380] {strides = array<i32>} : memref<1600x16xf32, #tpu.memory_space<vmem>>, vector<1x16xf32>,
      %get3A_382 = vector.shape_cast %get3A_381 : vector<1x16xf32> to vector<16xf32>
      %add3A_383 = arith.addf %add3A_374, %get3A_382 : vector<16xf32>
      %mul3A_384 = arith.constant 50 : i32
      %mul3A_385 = arith.muli %scan3A_216, %mul3A_384 : i32
      %add3A_386 = arith.constant 19 : i32
      %add3A_387 = arith.addi %mul3A_385, %add3A_386 : i32
      %get3A_388 = arith.index_cast %add3A_387 : i32 to index
      %get3A_389 = arith.constant 0 : index
      %get3A_390 = tpu.vector_load %arg6[%get3A_388, %get3A_389] {strides = array<i32>} : memref<1600x16xf32, #tpu.memory_space<vmem>>, vector<1x16xf32>,
      %get3A_391 = vector.shape_cast %get3A_390 : vector<1x16xf32> to vector<16xf32>
      %add3A_392 = arith.addf %add3A_383, %get3A_391 : vector<16xf32>
      %mul3A_393 = arith.constant 50 : i32
      %mul3A_394 = arith.muli %scan3A_216, %mul3A_393 : i32
      %add3A_395 = arith.constant 20 : i32
      %add3A_396 = arith.addi %mul3A_394, %add3A_395 : i32
      %get3A_397 = arith.index_cast %add3A_396 : i32 to index
      %get3A_398 = arith.constant 0 : index
      %get3A_399 = tpu.vector_load %arg6[%get3A_397, %get3A_398] {strides = array<i32>} : memref<1600x16xf32, #tpu.memory_space<vmem>>, vector<1x16xf32>,
      %get3A_400 = vector.shape_cast %get3A_399 : vector<1x16xf32> to vector<16xf32>
      %add3A_401 = arith.addf %add3A_392, %get3A_400 : vector<16xf32>
      %mul3A_402 = arith.constant 50 : i32
      %mul3A_403 = arith.muli %scan3A_216, %mul3A_402 : i32
      %add3A_404 = arith.constant 21 : i32
      %add3A_405 = arith.addi %mul3A_403, %add3A_404 : i32
      %get3A_406 = arith.index_cast %add3A_405 : i32 to index
      %get3A_407 = arith.constant 0 : index
      %get3A_408 = tpu.vector_load %arg6[%get3A_406, %get3A_407] {strides = array<i32>} : memref<1600x16xf32, #tpu.memory_space<vmem>>, vector<1x16xf32>,
      %get3A_409 = vector.shape_cast %get3A_408 : vector<1x16xf32> to vector<16xf32>
      %add3A_410 = arith.addf %add3A_401, %get3A_409 : vector<16xf32>
      %mul3A_411 = arith.constant 50 : i32
      %mul3A_412 = arith.muli %scan3A_216, %mul3A_411 : i32
      %add3A_413 = arith.constant 22 : i32
      %add3A_414 = arith.addi %mul3A_412, %add3A_413 : i32
      %get3A_415 = arith.index_cast %add3A_414 : i32 to index
      %get3A_416 = arith.constant 0 : index
      %get3A_417 = tpu.vector_load %arg6[%get3A_415, %get3A_416] {strides = array<i32>} : memref<1600x16xf32, #tpu.memory_space<vmem>>, vector<1x16xf32>,
      %get3A_418 = vector.shape_cast %get3A_417 : vector<1x16xf32> to vector<16xf32>
      %add3A_419 = arith.addf %add3A_410, %get3A_418 : vector<16xf32>
      %mul3A_420 = arith.constant 50 : i32
      %mul3A_421 = arith.muli %scan3A_216, %mul3A_420 : i32
      %add3A_422 = arith.constant 23 : i32
      %add3A_423 = arith.addi %mul3A_421, %add3A_422 : i32
      %get3A_424 = arith.index_cast %add3A_423 : i32 to index
      %get3A_425 = arith.constant 0 : index
      %get3A_426 = tpu.vector_load %arg6[%get3A_424, %get3A_425] {strides = array<i32>} : memref<1600x16xf32, #tpu.memory_space<vmem>>, vector<1x16xf32>,
      %get3A_427 = vector.shape_cast %get3A_426 : vector<1x16xf32> to vector<16xf32>
      %add3A_428 = arith.addf %add3A_419, %get3A_427 : vector<16xf32>
      %mul3A_429 = arith.constant 50 : i32
      %mul3A_430 = arith.muli %scan3A_216, %mul3A_429 : i32
      %add3A_431 = arith.constant 24 : i32
      %add3A_432 = arith.addi %mul3A_430, %add3A_431 : i32
      %get3A_433 = arith.index_cast %add3A_432 : i32 to index
      %get3A_434 = arith.constant 0 : index
      %get3A_435 = tpu.vector_load %arg6[%get3A_433, %get3A_434] {strides = array<i32>} : memref<1600x16xf32, #tpu.memory_space<vmem>>, vector<1x16xf32>,
      %get3A_436 = vector.shape_cast %get3A_435 : vector<1x16xf32> to vector<16xf32>
      %add3A_437 = arith.addf %add3A_428, %get3A_436 : vector<16xf32>
      %mul3A_438 = arith.constant 50 : i32
      %mul3A_439 = arith.muli %scan3A_216, %mul3A_438 : i32
      %add3A_440 = arith.constant 25 : i32
      %add3A_441 = arith.addi %mul3A_439, %add3A_440 : i32
      %get3A_442 = arith.index_cast %add3A_441 : i32 to index
      %get3A_443 = arith.constant 0 : index
      %get3A_444 = tpu.vector_load %arg6[%get3A_442, %get3A_443] {strides = array<i32>} : memref<1600x16xf32, #tpu.memory_space<vmem>>, vector<1x16xf32>,
      %get3A_445 = vector.shape_cast %get3A_444 : vector<1x16xf32> to vector<16xf32>
      %add3A_446 = arith.addf %add3A_437, %get3A_445 : vector<16xf32>
      %mul3A_447 = arith.constant 50 : i32
      %mul3A_448 = arith.muli %scan3A_216, %mul3A_447 : i32
      %add3A_449 = arith.constant 26 : i32
      %add3A_450 = arith.addi %mul3A_448, %add3A_449 : i32
      %get3A_451 = arith.index_cast %add3A_450 : i32 to index
      %get3A_452 = arith.constant 0 : index
      %get3A_453 = tpu.vector_load %arg6[%get3A_451, %get3A_452] {strides = array<i32>} : memref<1600x16xf32, #tpu.memory_space<vmem>>, vector<1x16xf32>,
      %get3A_454 = vector.shape_cast %get3A_453 : vector<1x16xf32> to vector<16xf32>
      %add3A_455 = arith.addf %add3A_446, %get3A_454 : vector<16xf32>
      %mul3A_456 = arith.constant 50 : i32
      %mul3A_457 = arith.muli %scan3A_216, %mul3A_456 : i32
      %add3A_458 = arith.constant 27 : i32
      %add3A_459 = arith.addi %mul3A_457, %add3A_458 : i32
      %get3A_460 = arith.index_cast %add3A_459 : i32 to index
      %get3A_461 = arith.constant 0 : index
      %get3A_462 = tpu.vector_load %arg6[%get3A_460, %get3A_461] {strides = array<i32>} : memref<1600x16xf32, #tpu.memory_space<vmem>>, vector<1x16xf32>,
      %get3A_463 = vector.shape_cast %get3A_462 : vector<1x16xf32> to vector<16xf32>
      %add3A_464 = arith.addf %add3A_455, %get3A_463 : vector<16xf32>
      %mul3A_465 = arith.constant 50 : i32
      %mul3A_466 = arith.muli %scan3A_216, %mul3A_465 : i32
      %add3A_467 = arith.constant 28 : i32
      %add3A_468 = arith.addi %mul3A_466, %add3A_467 : i32
      %get3A_469 = arith.index_cast %add3A_468 : i32 to index
      %get3A_470 = arith.constant 0 : index
      %get3A_471 = tpu.vector_load %arg6[%get3A_469, %get3A_470] {strides = array<i32>} : memref<1600x16xf32, #tpu.memory_space<vmem>>, vector<1x16xf32>,
      %get3A_472 = vector.shape_cast %get3A_471 : vector<1x16xf32> to vector<16xf32>
      %add3A_473 = arith.addf %add3A_464, %get3A_472 : vector<16xf32>
      %mul3A_474 = arith.constant 50 : i32
      %mul3A_475 = arith.muli %scan3A_216, %mul3A_474 : i32
      %add3A_476 = arith.constant 29 : i32
      %add3A_477 = arith.addi %mul3A_475, %add3A_476 : i32
      %get3A_478 = arith.index_cast %add3A_477 : i32 to index
      %get3A_479 = arith.constant 0 : index
      %get3A_480 = tpu.vector_load %arg6[%get3A_478, %get3A_479] {strides = array<i32>} : memref<1600x16xf32, #tpu.memory_space<vmem>>, vector<1x16xf32>,
      %get3A_481 = vector.shape_cast %get3A_480 : vector<1x16xf32> to vector<16xf32>
      %add3A_482 = arith.addf %add3A_473, %get3A_481 : vector<16xf32>
      %mul3A_483 = arith.constant 50 : i32
      %mul3A_484 = arith.muli %scan3A_216, %mul3A_483 : i32
      %add3A_485 = arith.constant 30 : i32
      %add3A_486 = arith.addi %mul3A_484, %add3A_485 : i32
      %get3A_487 = arith.index_cast %add3A_486 : i32 to index
      %get3A_488 = arith.constant 0 : index
      %get3A_489 = tpu.vector_load %arg6[%get3A_487, %get3A_488] {strides = array<i32>} : memref<1600x16xf32, #tpu.memory_space<vmem>>, vector<1x16xf32>,
      %get3A_490 = vector.shape_cast %get3A_489 : vector<1x16xf32> to vector<16xf32>
      %add3A_491 = arith.addf %add3A_482, %get3A_490 : vector<16xf32>
      %mul3A_492 = arith.constant 50 : i32
      %mul3A_493 = arith.muli %scan3A_216, %mul3A_492 : i32
      %add3A_494 = arith.constant 31 : i32
      %add3A_495 = arith.addi %mul3A_493, %add3A_494 : i32
      %get3A_496 = arith.index_cast %add3A_495 : i32 to index
      %get3A_497 = arith.constant 0 : index
      %get3A_498 = tpu.vector_load %arg6[%get3A_496, %get3A_497] {strides = array<i32>} : memref<1600x16xf32, #tpu.memory_space<vmem>>, vector<1x16xf32>,
      %get3A_499 = vector.shape_cast %get3A_498 : vector<1x16xf32> to vector<16xf32>
      %add3A_500 = arith.addf %add3A_491, %get3A_499 : vector<16xf32>
      %mul3A_501 = arith.constant 50 : i32
      %mul3A_502 = arith.muli %scan3A_216, %mul3A_501 : i32
      %add3A_503 = arith.constant 32 : i32
      %add3A_504 = arith.addi %mul3A_502, %add3A_503 : i32
      %get3A_505 = arith.index_cast %add3A_504 : i32 to index
      %get3A_506 = arith.constant 0 : index
      %get3A_507 = tpu.vector_load %arg6[%get3A_505, %get3A_506] {strides = array<i32>} : memref<1600x16xf32, #tpu.memory_space<vmem>>, vector<1x16xf32>,
      %get3A_508 = vector.shape_cast %get3A_507 : vector<1x16xf32> to vector<16xf32>
      %add3A_509 = arith.addf %add3A_500, %get3A_508 : vector<16xf32>
      %mul3A_510 = arith.constant 50 : i32
      %mul3A_511 = arith.muli %scan3A_216, %mul3A_510 : i32
      %add3A_512 = arith.constant 33 : i32
      %add3A_513 = arith.addi %mul3A_511, %add3A_512 : i32
      %get3A_514 = arith.index_cast %add3A_513 : i32 to index
      %get3A_515 = arith.constant 0 : index
      %get3A_516 = tpu.vector_load %arg6[%get3A_514, %get3A_515] {strides = array<i32>} : memref<1600x16xf32, #tpu.memory_space<vmem>>, vector<1x16xf32>,
      %get3A_517 = vector.shape_cast %get3A_516 : vector<1x16xf32> to vector<16xf32>
      %add3A_518 = arith.addf %add3A_509, %get3A_517 : vector<16xf32>
      %mul3A_519 = arith.constant 50 : i32
      %mul3A_520 = arith.muli %scan3A_216, %mul3A_519 : i32
      %add3A_521 = arith.constant 34 : i32
      %add3A_522 = arith.addi %mul3A_520, %add3A_521 : i32
      %get3A_523 = arith.index_cast %add3A_522 : i32 to index
      %get3A_524 = arith.constant 0 : index
      %get3A_525 = tpu.vector_load %arg6[%get3A_523, %get3A_524] {strides = array<i32>} : memref<1600x16xf32, #tpu.memory_space<vmem>>, vector<1x16xf32>,
      %get3A_526 = vector.shape_cast %get3A_525 : vector<1x16xf32> to vector<16xf32>
      %add3A_527 = arith.addf %add3A_518, %get3A_526 : vector<16xf32>
      %mul3A_528 = arith.constant 50 : i32
      %mul3A_529 = arith.muli %scan3A_216, %mul3A_528 : i32
      %add3A_530 = arith.constant 35 : i32
      %add3A_531 = arith.addi %mul3A_529, %add3A_530 : i32
      %get3A_532 = arith.index_cast %add3A_531 : i32 to index
      %get3A_533 = arith.constant 0 : index
      %get3A_534 = tpu.vector_load %arg6[%get3A_532, %get3A_533] {strides = array<i32>} : memref<1600x16xf32, #tpu.memory_space<vmem>>, vector<1x16xf32>,
      %get3A_535 = vector.shape_cast %get3A_534 : vector<1x16xf32> to vector<16xf32>
      %add3A_536 = arith.addf %add3A_527, %get3A_535 : vector<16xf32>
      %mul3A_537 = arith.constant 50 : i32
      %mul3A_538 = arith.muli %scan3A_216, %mul3A_537 : i32
      %add3A_539 = arith.constant 36 : i32
      %add3A_540 = arith.addi %mul3A_538, %add3A_539 : i32
      %get3A_541 = arith.index_cast %add3A_540 : i32 to index
      %get3A_542 = arith.constant 0 : index
      %get3A_543 = tpu.vector_load %arg6[%get3A_541, %get3A_542] {strides = array<i32>} : memref<1600x16xf32, #tpu.memory_space<vmem>>, vector<1x16xf32>,
      %get3A_544 = vector.shape_cast %get3A_543 : vector<1x16xf32> to vector<16xf32>
      %add3A_545 = arith.addf %add3A_536, %get3A_544 : vector<16xf32>
      %mul3A_546 = arith.constant 50 : i32
      %mul3A_547 = arith.muli %scan3A_216, %mul3A_546 : i32
      %add3A_548 = arith.constant 37 : i32
      %add3A_549 = arith.addi %mul3A_547, %add3A_548 : i32
      %get3A_550 = arith.index_cast %add3A_549 : i32 to index
      %get3A_551 = arith.constant 0 : index
      %get3A_552 = tpu.vector_load %arg6[%get3A_550, %get3A_551] {strides = array<i32>} : memref<1600x16xf32, #tpu.memory_space<vmem>>, vector<1x16xf32>,
      %get3A_553 = vector.shape_cast %get3A_552 : vector<1x16xf32> to vector<16xf32>
      %add3A_554 = arith.addf %add3A_545, %get3A_553 : vector<16xf32>
      %mul3A_555 = arith.constant 50 : i32
      %mul3A_556 = arith.muli %scan3A_216, %mul3A_555 : i32
      %add3A_557 = arith.constant 38 : i32
      %add3A_558 = arith.addi %mul3A_556, %add3A_557 : i32
      %get3A_559 = arith.index_cast %add3A_558 : i32 to index
      %get3A_560 = arith.constant 0 : index
      %get3A_561 = tpu.vector_load %arg6[%get3A_559, %get3A_560] {strides = array<i32>} : memref<1600x16xf32, #tpu.memory_space<vmem>>, vector<1x16xf32>,
      %get3A_562 = vector.shape_cast %get3A_561 : vector<1x16xf32> to vector<16xf32>
      %add3A_563 = arith.addf %add3A_554, %get3A_562 : vector<16xf32>
      %mul3A_564 = arith.constant 50 : i32
      %mul3A_565 = arith.muli %scan3A_216, %mul3A_564 : i32
      %add3A_566 = arith.constant 39 : i32
      %add3A_567 = arith.addi %mul3A_565, %add3A_566 : i32
      %get3A_568 = arith.index_cast %add3A_567 : i32 to index
      %get3A_569 = arith.constant 0 : index
      %get3A_570 = tpu.vector_load %arg6[%get3A_568, %get3A_569] {strides = array<i32>} : memref<1600x16xf32, #tpu.memory_space<vmem>>, vector<1x16xf32>,
      %get3A_571 = vector.shape_cast %get3A_570 : vector<1x16xf32> to vector<16xf32>
      %add3A_572 = arith.addf %add3A_563, %get3A_571 : vector<16xf32>
      %mul3A_573 = arith.constant 50 : i32
      %mul3A_574 = arith.muli %scan3A_216, %mul3A_573 : i32
      %add3A_575 = arith.constant 40 : i32
      %add3A_576 = arith.addi %mul3A_574, %add3A_575 : i32
      %get3A_577 = arith.index_cast %add3A_576 : i32 to index
      %get3A_578 = arith.constant 0 : index
      %get3A_579 = tpu.vector_load %arg6[%get3A_577, %get3A_578] {strides = array<i32>} : memref<1600x16xf32, #tpu.memory_space<vmem>>, vector<1x16xf32>,
      %get3A_580 = vector.shape_cast %get3A_579 : vector<1x16xf32> to vector<16xf32>
      %add3A_581 = arith.addf %add3A_572, %get3A_580 : vector<16xf32>
      %mul3A_582 = arith.constant 50 : i32
      %mul3A_583 = arith.muli %scan3A_216, %mul3A_582 : i32
      %add3A_584 = arith.constant 41 : i32
      %add3A_585 = arith.addi %mul3A_583, %add3A_584 : i32
      %get3A_586 = arith.index_cast %add3A_585 : i32 to index
      %get3A_587 = arith.constant 0 : index
      %get3A_588 = tpu.vector_load %arg6[%get3A_586, %get3A_587] {strides = array<i32>} : memref<1600x16xf32, #tpu.memory_space<vmem>>, vector<1x16xf32>,
      %get3A_589 = vector.shape_cast %get3A_588 : vector<1x16xf32> to vector<16xf32>
      %add3A_590 = arith.addf %add3A_581, %get3A_589 : vector<16xf32>
      %mul3A_591 = arith.constant 50 : i32
      %mul3A_592 = arith.muli %scan3A_216, %mul3A_591 : i32
      %add3A_593 = arith.constant 42 : i32
      %add3A_594 = arith.addi %mul3A_592, %add3A_593 : i32
      %get3A_595 = arith.index_cast %add3A_594 : i32 to index
      %get3A_596 = arith.constant 0 : index
      %get3A_597 = tpu.vector_load %arg6[%get3A_595, %get3A_596] {strides = array<i32>} : memref<1600x16xf32, #tpu.memory_space<vmem>>, vector<1x16xf32>,
      %get3A_598 = vector.shape_cast %get3A_597 : vector<1x16xf32> to vector<16xf32>
      %add3A_599 = arith.addf %add3A_590, %get3A_598 : vector<16xf32>
      %mul3A_600 = arith.constant 50 : i32
      %mul3A_601 = arith.muli %scan3A_216, %mul3A_600 : i32
      %add3A_602 = arith.constant 43 : i32
      %add3A_603 = arith.addi %mul3A_601, %add3A_602 : i32
      %get3A_604 = arith.index_cast %add3A_603 : i32 to index
      %get3A_605 = arith.constant 0 : index
      %get3A_606 = tpu.vector_load %arg6[%get3A_604, %get3A_605] {strides = array<i32>} : memref<1600x16xf32, #tpu.memory_space<vmem>>, vector<1x16xf32>,
      %get3A_607 = vector.shape_cast %get3A_606 : vector<1x16xf32> to vector<16xf32>
      %add3A_608 = arith.addf %add3A_599, %get3A_607 : vector<16xf32>
      %mul3A_609 = arith.constant 50 : i32
      %mul3A_610 = arith.muli %scan3A_216, %mul3A_609 : i32
      %add3A_611 = arith.constant 44 : i32
      %add3A_612 = arith.addi %mul3A_610, %add3A_611 : i32
      %get3A_613 = arith.index_cast %add3A_612 : i32 to index
      %get3A_614 = arith.constant 0 : index
      %get3A_615 = tpu.vector_load %arg6[%get3A_613, %get3A_614] {strides = array<i32>} : memref<1600x16xf32, #tpu.memory_space<vmem>>, vector<1x16xf32>,
      %get3A_616 = vector.shape_cast %get3A_615 : vector<1x16xf32> to vector<16xf32>
      %add3A_617 = arith.addf %add3A_608, %get3A_616 : vector<16xf32>
      %mul3A_618 = arith.constant 50 : i32
      %mul3A_619 = arith.muli %scan3A_216, %mul3A_618 : i32
      %add3A_620 = arith.constant 45 : i32
      %add3A_621 = arith.addi %mul3A_619, %add3A_620 : i32
      %get3A_622 = arith.index_cast %add3A_621 : i32 to index
      %get3A_623 = arith.constant 0 : index
      %get3A_624 = tpu.vector_load %arg6[%get3A_622, %get3A_623] {strides = array<i32>} : memref<1600x16xf32, #tpu.memory_space<vmem>>, vector<1x16xf32>,
      %get3A_625 = vector.shape_cast %get3A_624 : vector<1x16xf32> to vector<16xf32>
      %add3A_626 = arith.addf %add3A_617, %get3A_625 : vector<16xf32>
      %mul3A_627 = arith.constant 50 : i32
      %mul3A_628 = arith.muli %scan3A_216, %mul3A_627 : i32
      %add3A_629 = arith.constant 46 : i32
      %add3A_630 = arith.addi %mul3A_628, %add3A_629 : i32
      %get3A_631 = arith.index_cast %add3A_630 : i32 to index
      %get3A_632 = arith.constant 0 : index
      %get3A_633 = tpu.vector_load %arg6[%get3A_631, %get3A_632] {strides = array<i32>} : memref<1600x16xf32, #tpu.memory_space<vmem>>, vector<1x16xf32>,
      %get3A_634 = vector.shape_cast %get3A_633 : vector<1x16xf32> to vector<16xf32>
      %add3A_635 = arith.addf %add3A_626, %get3A_634 : vector<16xf32>
      %mul3A_636 = arith.constant 50 : i32
      %mul3A_637 = arith.muli %scan3A_216, %mul3A_636 : i32
      %add3A_638 = arith.constant 47 : i32
      %add3A_639 = arith.addi %mul3A_637, %add3A_638 : i32
      %get3A_640 = arith.index_cast %add3A_639 : i32 to index
      %get3A_641 = arith.constant 0 : index
      %get3A_642 = tpu.vector_load %arg6[%get3A_640, %get3A_641] {strides = array<i32>} : memref<1600x16xf32, #tpu.memory_space<vmem>>, vector<1x16xf32>,
      %get3A_643 = vector.shape_cast %get3A_642 : vector<1x16xf32> to vector<16xf32>
      %add3A_644 = arith.addf %add3A_635, %get3A_643 : vector<16xf32>
      %mul3A_645 = arith.constant 50 : i32
      %mul3A_646 = arith.muli %scan3A_216, %mul3A_645 : i32
      %add3A_647 = arith.constant 48 : i32
      %add3A_648 = arith.addi %mul3A_646, %add3A_647 : i32
      %get3A_649 = arith.index_cast %add3A_648 : i32 to index
      %get3A_650 = arith.constant 0 : index
      %get3A_651 = tpu.vector_load %arg6[%get3A_649, %get3A_650] {strides = array<i32>} : memref<1600x16xf32, #tpu.memory_space<vmem>>, vector<1x16xf32>,
      %get3A_652 = vector.shape_cast %get3A_651 : vector<1x16xf32> to vector<16xf32>
      %add3A_653 = arith.addf %add3A_644, %get3A_652 : vector<16xf32>
      %mul3A_654 = arith.constant 50 : i32
      %mul3A_655 = arith.muli %scan3A_216, %mul3A_654 : i32
      %add3A_656 = arith.constant 49 : i32
      %add3A_657 = arith.addi %mul3A_655, %add3A_656 : i32
      %get3A_658 = arith.index_cast %add3A_657 : i32 to index
      %get3A_659 = arith.constant 0 : index
      %get3A_660 = tpu.vector_load %arg6[%get3A_658, %get3A_659] {strides = array<i32>} : memref<1600x16xf32, #tpu.memory_space<vmem>>, vector<1x16xf32>,
      %get3A_661 = vector.shape_cast %get3A_660 : vector<1x16xf32> to vector<16xf32>
      %add3A_662 = arith.addf %add3A_653, %get3A_661 : vector<16xf32>
      %swap3A = arith.index_cast %scan3A_216 : i32 to index
      %swap3A_663 = arith.constant 0 : index
      %swap3A_664 = tpu.vector_load %arg7[%swap3A, %swap3A_663] {strides = array<i32>} : memref<32x16xf32, #tpu.memory_space<vmem>>, vector<1x16xf32>,
      %swap3A_665 = vector.shape_cast %swap3A_664 : vector<1x16xf32> to vector<16xf32>
      %swap3A_666 = vector.shape_cast %add3A_662 : vector<16xf32> to vector<1x16xf32>
      tpu.vector_store %arg7[%swap3A, %swap3A_663], %swap3A_666 {strides = array<i32>} : memref<32x16xf32, #tpu.memory_space<vmem>>, vector<1x16xf32>,
    }
    %scan3A_213 = arith.constant 32 : i32
    %mul3A_214 = arith.constant 32 : i32
    %mul3A_215 = arith.muli %add3A, %mul3A_214 : i32
    "tpu.region"() ({
      %run_scoped3A = tpu.sem_alloc : memref<!tpu.dma_semaphore, #tpu.memory_space<semaphore_mem>>
      %dma_start3A_216 = arith.constant 0 : i32
      %dma_start3A_217 = tpu.memref_slice %arg4[%mul3A_215, %dma_start3A_216] : memref<1024x16xf32, #tpu.memory_space<hbm>> -> memref<32x16xf32, #tpu.memory_space<hbm>>
      %dma_start3A_218 = arith.constant 0 : i32
      %dma_start3A_219 = tpu.memref_slice %arg4[%mul3A_215, %dma_start3A_218] : memref<1024x16xf32, #tpu.memory_space<hbm>> -> memref<32x16xf32, #tpu.memory_space<hbm>>
      tpu.enqueue_dma source(%arg7 : memref<32x16xf32, #tpu.memory_space<vmem>>) target(%dma_start3A_219 : memref<32x16xf32, #tpu.memory_space<hbm>>) target_semaphore(%run_scoped3A : memref<!tpu.dma_semaphore, #tpu.memory_space<semaphore_mem>>)
      %dma_wait3A_220 = arith.constant 0 : i32
      %dma_wait3A_221 = tpu.memref_slice %arg4[%mul3A_215, %dma_wait3A_220] : memref<1024x16xf32, #tpu.memory_space<hbm>> -> memref<32x16xf32, #tpu.memory_space<hbm>>
      %dma_wait3A_222 = arith.constant 0 : i32
      %dma_wait3A_223 = tpu.memref_slice %arg4[%mul3A_215, %dma_wait3A_222] : memref<1024x16xf32, #tpu.memory_space<hbm>> -> memref<32x16xf32, #tpu.memory_space<hbm>>
      tpu.wait_dma2 semaphore(%run_scoped3A : memref<!tpu.dma_semaphore, #tpu.memory_space<semaphore_mem>>) src(%arg7 : memref<32x16xf32, #tpu.memory_space<vmem>>) dst(%dma_wait3A_223 : memref<32x16xf32, #tpu.memory_space<hbm>>)
      tpu.yield
    }) : () -> ()
    return
  }
}

module attributes {stable_mosaic.version = 14 : i64} {
  func.func @_stats_body(%arg0: i32, %arg1: memref<1024x16xf32, #tpu.memory_space<vmem>>, %arg2: memref<3584x16xf32, #tpu.memory_space<vmem>>, %arg3: memref<1x3584xf32, #tpu.memory_space<vmem>>, %arg4: memref<1024x128xf32, #tpu.memory_space<vmem>>, %arg5: memref<1024x1xf32, #tpu.memory_space<vmem>>, %arg6: memref<1024x1xf32, #tpu.memory_space<vmem>>) attributes {dimension_semantics = [#tpu.dimension_semantics<arbitrary>], iteration_bounds = array<i64: 28>, scalar_prefetch = 0 : i64, scratch_operands = 2 : i64, tpu.core_type = #tpu.core_type<tc>, window_params = [{pipeline_mode = #tpu.pipeline_mode<synchronous>, transform_indices = @transform_0, window_bounds = array<i64: 1024, 16>}, {transform_indices = @transform_1, window_bounds = array<i64: 3584, 16>}, {transform_indices = @transform_2, window_bounds = array<i64: 1, 3584>}, {pipeline_mode = #tpu.pipeline_mode<synchronous>, transform_indices = @transform_3, window_bounds = array<i64: 1024, 128>}]} {
    %get3A = arith.constant 0 : index
    %get3A_0 = arith.constant 0 : index
    %get3A_1 = vector.load %arg1[%get3A, %get3A_0] : memref<1024x16xf32, #tpu.memory_space<vmem>>, vector<1024x16xf32>
    %get3A_2 = arith.constant 0 : index
    %get3A_3 = arith.constant 0 : index
    %get3A_4 = vector.load %arg2[%get3A_2, %get3A_3] : memref<3584x16xf32, #tpu.memory_space<vmem>>, vector<3584x16xf32>
    %get3A_5 = arith.constant 0 : index
    %get3A_6 = arith.constant 0 : index
    %get3A_7 = vector.load %arg3[%get3A_5, %get3A_6] : memref<1x3584xf32, #tpu.memory_space<vmem>>, vector<1x3584xf32>
    %dot_general3A = arith.constant dense<0.000000e+00> : vector<1024x3584xf32>
    %dot_general3A_8 = tpu.matmul %get3A_1, %get3A_4, %dot_general3A {dimension_numbers = #tpu.dot_dimension_numbers<[1], [1], [0], [0], [0, 0, 1, 0], [], []>, transpose_lhs_hint = false} : vector<1024x16xf32>, vector<3584x16xf32>, vector<1024x3584xf32> -> vector<1024x3584xf32>
    %add3A = vector.broadcast %get3A_7 : vector<1x3584xf32> to vector<1024x3584xf32>
    %add3A_9 = arith.addf %dot_general3A_8, %add3A : vector<1024x3584xf32>
    %reduce_max3A = arith.constant dense<0xFF800000> : vector<1024xf32>
    %reduce_max3A_10 = vector.multi_reduction <maximumf>, %add3A_9, %reduce_max3A [1] : vector<1024x3584xf32> to vector<1024xf32>
    %broadcast_in_dim3A = vector.shape_cast %reduce_max3A_10 : vector<1024xf32> to vector<1024x1xf32>
    %eq3A = arith.constant 0 : i32
    %eq3A_11 = arith.cmpi eq, %arg0, %eq3A : i32
    %convert_element_type3A = arith.extui %eq3A_11 : i1 to i32
    %cond3A = arith.constant 0 : i32
    %cond3A_12 = arith.cmpi ne, %convert_element_type3A, %cond3A : i32
    scf.if %cond3A_12 {
      %broadcast_in_dim3A_35 = arith.constant 0xFF800000 : f32
      %broadcast_in_dim3A_36 = vector.broadcast %broadcast_in_dim3A_35 : f32 to vector<1024x1xf32>
      %swap3A_37 = arith.constant 0 : index
      %swap3A_38 = arith.constant 0 : index
      %swap3A_39 = vector.load %arg5[%swap3A_37, %swap3A_38] : memref<1024x1xf32, #tpu.memory_space<vmem>>, vector<1024x1xf32>
      tpu.vector_store %arg5[%swap3A_37, %swap3A_38], %broadcast_in_dim3A_36 {strides = array<i32>} : memref<1024x1xf32, #tpu.memory_space<vmem>>, vector<1024x1xf32>,
      %broadcast_in_dim3A_40 = arith.constant 0.000000e+00 : f32
      %broadcast_in_dim3A_41 = vector.broadcast %broadcast_in_dim3A_40 : f32 to vector<1024x1xf32>
      %swap3A_42 = arith.constant 0 : index
      %swap3A_43 = arith.constant 0 : index
      %swap3A_44 = vector.load %arg6[%swap3A_42, %swap3A_43] : memref<1024x1xf32, #tpu.memory_space<vmem>>, vector<1024x1xf32>
      tpu.vector_store %arg6[%swap3A_42, %swap3A_43], %broadcast_in_dim3A_41 {strides = array<i32>} : memref<1024x1xf32, #tpu.memory_space<vmem>>, vector<1024x1xf32>,
    } else {
    }
    %get3A_13 = arith.constant 0 : index
    %get3A_14 = arith.constant 0 : index
    %get3A_15 = vector.load %arg5[%get3A_13, %get3A_14] : memref<1024x1xf32, #tpu.memory_space<vmem>>, vector<1024x1xf32>
    %max3A = arith.maximumf %get3A_15, %broadcast_in_dim3A : vector<1024x1xf32>
    %get3A_16 = arith.constant 0 : index
    %get3A_17 = arith.constant 0 : index
    %get3A_18 = vector.load %arg6[%get3A_16, %get3A_17] : memref<1024x1xf32, #tpu.memory_space<vmem>>, vector<1024x1xf32>
    %sub3A = arith.subf %get3A_15, %max3A : vector<1024x1xf32>
    %exp3A = math.exp %sub3A : vector<1024x1xf32>
    %mul3A = arith.mulf %get3A_18, %exp3A : vector<1024x1xf32>
    %sub3A_19 = vector.broadcast %max3A : vector<1024x1xf32> to vector<1024x3584xf32>
    %sub3A_20 = arith.subf %add3A_9, %sub3A_19 : vector<1024x3584xf32>
    %exp3A_21 = math.exp %sub3A_20 : vector<1024x3584xf32>
    %reduce_sum3A = arith.constant dense<0.000000e+00> : vector<1024xf32>
    %reduce_sum3A_22 = vector.multi_reduction <add>, %exp3A_21, %reduce_sum3A [1] : vector<1024x3584xf32> to vector<1024xf32>
    %broadcast_in_dim3A_23 = vector.shape_cast %reduce_sum3A_22 : vector<1024xf32> to vector<1024x1xf32>
    %add3A_24 = arith.addf %mul3A, %broadcast_in_dim3A_23 : vector<1024x1xf32>
    %swap3A = arith.constant 0 : index
    %swap3A_25 = arith.constant 0 : index
    %swap3A_26 = vector.load %arg6[%swap3A, %swap3A_25] : memref<1024x1xf32, #tpu.memory_space<vmem>>, vector<1024x1xf32>
    tpu.vector_store %arg6[%swap3A, %swap3A_25], %add3A_24 {strides = array<i32>} : memref<1024x1xf32, #tpu.memory_space<vmem>>, vector<1024x1xf32>,
    %swap3A_27 = arith.constant 0 : index
    %swap3A_28 = arith.constant 0 : index
    %swap3A_29 = vector.load %arg5[%swap3A_27, %swap3A_28] : memref<1024x1xf32, #tpu.memory_space<vmem>>, vector<1024x1xf32>
    tpu.vector_store %arg5[%swap3A_27, %swap3A_28], %max3A {strides = array<i32>} : memref<1024x1xf32, #tpu.memory_space<vmem>>, vector<1024x1xf32>,
    %eq3A_30 = arith.constant 27 : i32
    %eq3A_31 = arith.cmpi eq, %arg0, %eq3A_30 : i32
    %convert_element_type3A_32 = arith.extui %eq3A_31 : i1 to i32
    %cond3A_33 = arith.constant 0 : i32
    %cond3A_34 = arith.cmpi ne, %convert_element_type3A_32, %cond3A_33 : i32
    scf.if %cond3A_34 {
      %get3A_35 = arith.constant 0 : index
      %get3A_36 = arith.constant 0 : index
      %get3A_37 = vector.load %arg5[%get3A_35, %get3A_36] : memref<1024x1xf32, #tpu.memory_space<vmem>>, vector<1024x1xf32>
      %get3A_38 = arith.constant 0 : index
      %get3A_39 = arith.constant 0 : index
      %get3A_40 = vector.load %arg6[%get3A_38, %get3A_39] : memref<1024x1xf32, #tpu.memory_space<vmem>>, vector<1024x1xf32>
      %log3A = math.log %get3A_40 : vector<1024x1xf32>
      %add3A_41 = arith.addf %get3A_37, %log3A : vector<1024x1xf32>
      %broadcast_in_dim3A_42 = vector.shape_cast %add3A_41 : vector<1024x1xf32> to vector<1024x1xf32>
      %broadcast_in_dim3A_43 = vector.broadcast %broadcast_in_dim3A_42 : vector<1024x1xf32> to vector<1024x128xf32>
      %swap3A_44 = arith.constant 0 : index
      %swap3A_45 = arith.constant 0 : index
      %swap3A_46 = vector.load %arg4[%swap3A_44, %swap3A_45] : memref<1024x128xf32, #tpu.memory_space<vmem>>, vector<1024x128xf32>
      tpu.vector_store %arg4[%swap3A_44, %swap3A_45], %broadcast_in_dim3A_43 {strides = array<i32>} : memref<1024x128xf32, #tpu.memory_space<vmem>>, vector<1024x128xf32>,
    } else {
    }
    return
  }
  func.func @transform_0(%arg0: i32) -> (i32, i32) {
    %c0_i32 = arith.constant 0 : i32
    %c0_i32_0 = arith.constant 0 : i32
    %c0_i32_1 = arith.constant 0 : i32
    return %c0_i32, %c0_i32_0 : i32, i32
  }
  func.func @transform_1(%arg0: i32) -> (i32, i32) {
    %c0_i32 = arith.constant 0 : i32
    %c0_i32_0 = arith.constant 0 : i32
    return %arg0, %c0_i32 : i32, i32
  }
  func.func @transform_2(%arg0: i32) -> (i32, i32) {
    %c0_i32 = arith.constant 0 : i32
    %c0_i32_0 = arith.constant 0 : i32
    return %c0_i32, %arg0 : i32, i32
  }
  func.func @transform_3(%arg0: i32) -> (i32, i32) {
    %c0_i32 = arith.constant 0 : i32
    %c0_i32_0 = arith.constant 0 : i32
    %c0_i32_1 = arith.constant 0 : i32
    return %c0_i32, %c0_i32_0 : i32, i32
  }
}

module attributes {stable_mosaic.version = 14 : i64} {
  func.func @_out_body(%arg0: i32, %arg1: memref<1024x16xf32, #tpu.memory_space<vmem>>, %arg2: memref<3584x16xf32, #tpu.memory_space<vmem>>, %arg3: memref<1x3584xf32, #tpu.memory_space<vmem>>, %arg4: memref<1024x128xf32, #tpu.memory_space<vmem>>, %arg5: memref<1024x3584xf32, #tpu.memory_space<vmem>>) attributes {dimension_semantics = [#tpu.dimension_semantics<parallel>], iteration_bounds = array<i64: 28>, scalar_prefetch = 0 : i64, scratch_operands = 0 : i64, tpu.core_type = #tpu.core_type<tc>, window_params = [{pipeline_mode = #tpu.pipeline_mode<synchronous>, transform_indices = @transform_0, window_bounds = array<i64: 1024, 16>}, {transform_indices = @transform_1, window_bounds = array<i64: 3584, 16>}, {transform_indices = @transform_2, window_bounds = array<i64: 1, 3584>}, {pipeline_mode = #tpu.pipeline_mode<synchronous>, transform_indices = @transform_3, window_bounds = array<i64: 1024, 128>}, {transform_indices = @transform_4, window_bounds = array<i64: 1024, 3584>}]} {
    %get3A = arith.constant 0 : index
    %get3A_0 = arith.constant 0 : index
    %get3A_1 = vector.load %arg1[%get3A, %get3A_0] : memref<1024x16xf32, #tpu.memory_space<vmem>>, vector<1024x16xf32>
    %get3A_2 = arith.constant 0 : index
    %get3A_3 = arith.constant 0 : index
    %get3A_4 = vector.load %arg2[%get3A_2, %get3A_3] : memref<3584x16xf32, #tpu.memory_space<vmem>>, vector<3584x16xf32>
    %get3A_5 = arith.constant 0 : index
    %get3A_6 = arith.constant 0 : index
    %get3A_7 = vector.load %arg3[%get3A_5, %get3A_6] : memref<1x3584xf32, #tpu.memory_space<vmem>>, vector<1x3584xf32>
    %dot_general3A = arith.constant dense<0.000000e+00> : vector<1024x3584xf32>
    %dot_general3A_8 = tpu.matmul %get3A_1, %get3A_4, %dot_general3A {dimension_numbers = #tpu.dot_dimension_numbers<[1], [1], [0], [0], [0, 0, 1, 0], [], []>, transpose_lhs_hint = false} : vector<1024x16xf32>, vector<3584x16xf32>, vector<1024x3584xf32> -> vector<1024x3584xf32>
    %add3A = vector.broadcast %get3A_7 : vector<1x3584xf32> to vector<1024x3584xf32>
    %add3A_9 = arith.addf %dot_general3A_8, %add3A : vector<1024x3584xf32>
    %get3A_10 = arith.constant 0 : index
    %get3A_11 = arith.constant 0 : index
    %get3A_12 = vector.load %arg4[%get3A_10, %get3A_11] : memref<1024x128xf32, #tpu.memory_space<vmem>>, vector<1024x128xf32>
    %slice3A = vector.extract_strided_slice %get3A_12 {offsets = [0, 0], sizes = [1024, 1], strides = [1, 1]} : vector<1024x128xf32> to vector<1024x1xf32>
    %sub3A = vector.broadcast %slice3A : vector<1024x1xf32> to vector<1024x3584xf32>
    %sub3A_13 = arith.subf %add3A_9, %sub3A : vector<1024x3584xf32>
    %swap3A = arith.constant 0 : index
    %swap3A_14 = arith.constant 0 : index
    %swap3A_15 = vector.load %arg5[%swap3A, %swap3A_14] : memref<1024x3584xf32, #tpu.memory_space<vmem>>, vector<1024x3584xf32>
    tpu.vector_store %arg5[%swap3A, %swap3A_14], %sub3A_13 {strides = array<i32>} : memref<1024x3584xf32, #tpu.memory_space<vmem>>, vector<1024x3584xf32>,
    return
  }
  func.func @transform_0(%arg0: i32) -> (i32, i32) {
    %c0_i32 = arith.constant 0 : i32
    %c0_i32_0 = arith.constant 0 : i32
    %c0_i32_1 = arith.constant 0 : i32
    return %c0_i32, %c0_i32_0 : i32, i32
  }
  func.func @transform_1(%arg0: i32) -> (i32, i32) {
    %c0_i32 = arith.constant 0 : i32
    %c0_i32_0 = arith.constant 0 : i32
    return %arg0, %c0_i32 : i32, i32
  }
  func.func @transform_2(%arg0: i32) -> (i32, i32) {
    %c0_i32 = arith.constant 0 : i32
    %c0_i32_0 = arith.constant 0 : i32
    return %c0_i32, %arg0 : i32, i32
  }
  func.func @transform_3(%arg0: i32) -> (i32, i32) {
    %c0_i32 = arith.constant 0 : i32
    %c0_i32_0 = arith.constant 0 : i32
    %c0_i32_1 = arith.constant 0 : i32
    return %c0_i32, %c0_i32_0 : i32, i32
  }
  func.func @transform_4(%arg0: i32) -> (i32, i32) {
    %c0_i32 = arith.constant 0 : i32
    %c0_i32_0 = arith.constant 0 : i32
    return %c0_i32, %arg0 : i32, i32
  }
}

</mosaic_0001>

<sc_bundles>
// kernel: kernel.5.cloned.1.call-start
scs
__scs_entry_jumppad:
0x0: {  	(pc) =	sbr.rel $0x88, $3  }
0x1: {  	(tag) =	ssettag $0x0;
	lr =	simm.s32 $0x1  }
0x2: {  	[smem:$0x3F9D] =	sst lr;
	_ =	strace $0xD0000000  }
0x3: {  	_ = 	snop  }
0x4: {  	_ = 	snop  }
0x5: {  	_ = 	snop  }
0x6: {  	_ = 	snop  }
0x7: {  	_ = 	snop  }
__scs_overlays_trampoline_lowered:
0x8: {  	[smem:$0x3FAC] =	sst s0  }
0x9: {  	[smem:$0x3FAD] =	sst s1  }
0xa: {  	[smem:$0x3FAE] =	sst s2  }
0xb: {  	[smem:$0x3FAF] =	sst s3  }
0xc: {  	[smem:$0x3FB0] =	sst s4  }
0xd: {  	[smem:$0x3FB1] =	sst s5  }
0xe: {  	[smem:$0x3FB2] =	sst s6  }
0xf: {  	[smem:$0x3FB3] =	sst s7  }
0x10: {  	[smem:$0x3FB4] =	sst s8  }
0x11: {  	[smem:$0x3FB5] =	sst s9;
	s0 =	simm.s32 @!p0 $0x0  }
0x12: {  	s1 =	sld [smem:$0x3F9B];
	s0 =	simm.s32 @p0 $0x1  }
0x13: {  	[smem:$0x3FB6] =	sst s0;
	s0 =	simm.s32 @!p1 $0x0  }
0x14: {  	s2 =	sld [smem:$0x3F9A];
	s0 =	simm.s32 @p1 $0x1  }
0x15: {  	[smem:$0x3FB7] =	sst s0;
	s0 =	simm.s32 @!p2 $0x0  }
0x16: {  	s3 =	sld [smem:$0x3FDB];
	s0 =	simm.s32 @p2 $0x1  }
0x17: {  	s4 =	simm.s32 $0x1BF5;
	[smem:$0x3FB9] =	sst s0  }
0x18: {  	s0 =	sld [smem:$0x3F9C];
	_ =	swait.ge [sflag:s4], $0x0  }
0x19: {  	s7 =	sld [smem:$0x3F9D]  }
0x1a: {  	s8 =	sadd.s32 $0xFFFFE003, lr  }
0x1b: {  	s9 =	sadd.s32 $0xFFFFFEF7, lr;
	s5 =	simm.s32 $0xFFFFFFFF;
	p2 =	slt.u32 s8, $0xFFFFF086  }
0x1c: {  	p1 =	slt.u32 s9, $0xF7A;
	s5 =	simm.s32 @!p2 $0x0  }
0x1d: {  	s5 =	simm.s32 @p1 $0x1;
	p0 =	seq.s32 s7, s2  }
0x1e: {  	s7 =	smul.u32 @!p0 $0xF7A, s2;
	p2 =	seq.s32 @!p0 s5, $0x0  }
0x1f: {  	s9 =	smul.u32 $0xF7A, s1;
	s8 =	simm.s32 @!p0 $0x1BF5;
	p2 =	por !p2, p0  }
0x20: {  	[sflag:s8] =	ssyncset.s32 @!p0 $0xFFFFF086;
	s6 =	sadd.s32 @!p0 s3, s7;
	s7 =	simm.s32 @!p0 $0x108  }
0x21: {  	s3 =	sadd.s32 s3, s9;
	s6 =	sadd.s32 @!p0 $0x88, s6;
	s7 =	simm.s32 @p2 $0x1082  }
0x22: {  	[simem:s7], [sflag:s8] =	dma.local @!p0 [hbm:s6], $0xF7A  }
0x23: {  	s9 =	sor.u32 $0xD0000000, s2;
	s6 =	simm.s32 $0x108;
	_ =	swait.ge @!p0 [sflag:s8], $0x0  }
0x24: {  	s3 =	sadd.s32 $0x88, s3;
	s6 =	simm.s32 @!p1 $0x1082;
	[sflag:s4] =	ssyncset.s32 $0xFFFFF086  }
0x25: {  	[simem:s6], [sflag:s4] =	dma.local [hbm:s3], $0xF7A  }
0x26: {  	[smem:$0x3F9D] =	sst s1;
	(tag) =	ssettag s2;
	_ =	strace s9  }
0x27: {  	s1 =	sld [smem:$0x3FAD]  }
0x28: {  	s2 =	sld [smem:$0x3FAE]  }
0x29: {  	s4 =	sld [smem:$0x3FB0]  }
0x2a: {  	p0 =	seq.s32 s5, $0x0;
	s5 =	sld [smem:$0x3FB1]  }
0x2b: {  	s6 =	sld [smem:$0x3FB2]  }
0x2c: {  	s7 =	sld [smem:$0x3FB3]  }
0x2d: {  	s3 =	simm.s32 $0x108;
	s8 =	sld [smem:$0x3FB4]  }
0x2e: {  	s3 =	simm.s32 @!p0 $0x1082;
	s9 =	sld [smem:$0x3FB5]  }
0x2f: {  	lr =	sadd.s32 s0, s3;
	s0 =	sld [smem:$0x3FAC]  }
0x30: {  	s3 =	sld [smem:$0x3FAF]  }
0x31: {  	[smem:$0x3FB8] =	sst s10  }
0x32: {  	s10 =	sld [smem:$0x3FB6];
	_ =	sdelay $0x3  }
0x33: {  	p0 =	seq.s32 s10, $0x1;
	s10 =	sld [smem:$0x3FB8];
	_ =	sdelay $0x3  }
0x34: {  	[smem:$0x3FB8] =	sst s10  }
0x35: {  	s10 =	sld [smem:$0x3FB7];
	_ =	sdelay $0x3  }
0x36: {  	p1 =	seq.s32 s10, $0x1;
	s10 =	sld [smem:$0x3FB8];
	_ =	sdelay $0x3  }
0x37: {  	[smem:$0x3FB8] =	sst s10  }
0x38: {  	s10 =	sld [smem:$0x3FB9]  }
0x39: {  	_ = 	snop;
	(pc) =	sbr.ind lr, $3  }
0x3a: {  	_ = 	snop  }
0x3b: {  	_ = 	snop  }
0x3c: {  	p2 =	seq.s32 s10, $0x1;
	s10 =	sld [smem:$0x3FB8]  }
0x3d: {  	_ =	shalt  }
0x3e: {  	_ =	shalt  }
0x3f: {  	_ =	shalt  }
0x40: {  	_ =	shalt  }
0x41: {  	_ =	shalt  }
0x42: {  	_ =	shalt  }
0x43: {  	_ =	shalt  }
0x44: {  	_ =	shalt  }
0x45: {  	_ =	shalt  }
0x46: {  	_ =	shalt  }
0x47: {  	_ =	shalt  }
0x48: {  	_ =	shalt  }
0x49: {  	_ =	shalt  }
0x4a: {  	_ =	shalt  }
0x4b: {  	_ =	shalt  }
0x4c: {  	_ =	shalt  }
0x4d: {  	_ =	shalt  }
0x4e: {  	_ =	shalt  }
0x4f: {  	_ =	shalt  }
0x50: {  	_ =	shalt  }
0x51: {  	_ =	shalt  }
0x52: {  	_ =	shalt  }
0x53: {  	_ =	shalt  }
0x54: {  	_ =	shalt  }
0x55: {  	_ =	shalt  }
0x56: {  	_ =	shalt  }
0x57: {  	_ =	shalt  }
0x58: {  	_ =	shalt  }
0x59: {  	_ =	shalt  }
0x5a: {  	_ =	shalt  }
0x5b: {  	_ =	shalt  }
0x5c: {  	_ =	shalt  }
0x5d: {  	_ =	shalt  }
0x5e: {  	_ =	shalt  }
0x5f: {  	_ =	shalt  }
0x60: {  	_ =	shalt  }
0x61: {  	_ =	shalt  }
0x62: {  	_ =	shalt  }
0x63: {  	_ =	shalt  }
0x64: {  	_ =	shalt  }
0x65: {  	_ =	shalt  }
0x66: {  	_ =	shalt  }
0x67: {  	_ =	shalt  }
0x68: {  	_ =	shalt  }
0x69: {  	_ =	shalt  }
0x6a: {  	_ =	shalt  }
0x6b: {  	_ =	shalt  }
0x6c: {  	_ =	shalt  }
0x6d: {  	_ =	shalt  }
0x6e: {  	_ =	shalt  }
0x6f: {  	_ =	shalt  }
0x70: {  	_ =	shalt  }
0x71: {  	_ =	shalt  }
0x72: {  	_ =	shalt  }
0x73: {  	_ =	shalt  }
0x74: {  	_ =	shalt  }
0x75: {  	_ =	shalt  }
0x76: {  	_ =	shalt  }
0x77: {  	_ =	shalt  }
0x78: {  	_ =	shalt  }
0x79: {  	_ =	shalt  }
0x7a: {  	_ =	shalt  }
0x7b: {  	_ =	shalt  }
0x7c: {  	_ =	shalt  }
0x7d: {  	_ =	shalt  }
0x7e: {  	_ =	shalt  }
0x7f: {  	_ =	shalt  }
0x80: {  	_ =	shalt  }
0x81: {  	_ =	shalt  }
0x82: {  	_ =	shalt  }
0x83: {  	_ =	shalt  }
0x84: {  	_ =	shalt  }
0x85: {  	_ =	shalt  }
0x86: {  	_ =	shalt  }
0x87: {  	_ =	shalt  }
.Lfunc_end0:
.L_simem_size_0:
called_computation_lowered:
.L_overlay_start_0:
0x88: {  	s2 =	sld [smem:$0x3FD9]  }
0x89: {  	s3 =	sld [smem:$0x3FFE];
	_ =	sdelay $0x1  }
0x8a: {  	s1 =	srdreg.scid  }
0x8b: {  	s0 =	sand.u32 $0x1, s1  }
0x8c: {  	s16 =	sshll.u32 s0, $0xA;
	s2 =	sadd.s32 s3, s2  }
0x8d: {  	s2 =	sadd.s32 s2, s16  }
0x8e: {  	[smem:$0x3FC4] =	sst s2  }
0x8f: {  	_ = 	snop  }
0x90: {  	(tm) =	ssettm $0x1  }
0x91: {  	s17 =	sld [smem:$0x3FFB];
	_ =	sdelay $0x3  }
0x92: {  	_ =	strace s17  }
0x93: {  	s2 =	sld [smem:$0x3FFC];
	_ =	sdelay $0x3  }
0x94: {  	_ =	strace s2  }
0x95: {  	s2 =	sld [smem:$0x3FFD];
	_ =	sdelay $0x3  }
0x96: {  	_ =	strace s2  }
0x97: {  	_ =	strace $0x8FFFFFFF  }
0x98: {  	s18 =	sld [smem:$0x3FDB];
	_ =	sdelay $0x1  }
0x99: {  	s19 =	simm.s32 $_scs_section_size  }
0x9a: {  	s4 =	simm.s32 $_size__tile_overlayer_lowered;
	s5 =	simm.s32 $_tile_overlayer_lowered  }
0x9b: {  	s22 =	simm.s32 $0x1BFF;
	s21 =	sshll.u32 s5, $0x1;
	s2 =	sadd.s32 s19, s18  }
0x9c: {  	s6 =	simm.s32 $0x0;
	s20 =	sshll.u32 s4, $0x1;
	s4 =	sadd.s32 s21, s2  }
0x9d: {  	[timem:s6], [sflag:s22] =	dma.local [hbm:s4], s20  }
0x9e: {  	_ =	swait.ge [sflag:s22], s20  }
0x9f: {  	s3 =	ssub.s32 $0x0, s20;
	[sflag:s22] =	ssyncset.done $0x0  }
0xa0: {  	[sflag:s22] =	ssyncadd.s32 s3;
	_ =	sdelay $0x1  }
0xa1: {  	s23 =	simm.s32 $0x1B8B  }
0xa2: {  	_ =	swait.ge [sflag:s23], $0x1  }
0xa3: {  	[sflag:s23] =	ssyncset.done $0x0  }
0xa4: {  	s25 =	simm.s32 $0x1B8E;
	s24 =	sld [smem:$0x3FFE];
	[sflag:s23] =	ssyncadd.s32 $0xFFFFFFFF  }
0xa5: {  	s26 =	simm.s32 $execute0_lowered;
	[smem:$0x3FD2] =	sst s25  }
0xa6: {  	s4 =	sshll.u32 s26, $0x1;
	_ =	strace $0x80000046;
	[dreg:$0x1] =	wrdreg $0xFFFFFFFF  }
0xa7: {  	s28 =	simm.s32 $_size_execute0_lowered;
	s2 =	sadd.s32 s2, s4;
	[dreg:$0x0] =	wrdreg $0x0  }
0xa8: {  	s4 =	sshll.u32 s28, $0x1;
	[dreg:$0x2] =	wrdreg s2  }
0xa9: {  	[dreg:$0x3] =	wrdreg s4  }
0xaa: {  	[dreg:$0x4] =	wrdreg $0xC0  }
0xab: {  	_ =	task [dreg:s6], $0x5FFFF  }
0xac: {  	[dreg:$0x1] =	wrdreg $0xFFFFFFFF  }
0xad: {  	[dreg:$0x0] =	wrdreg $0x60  }
0xae: {  	[dreg:$0x2] =	wrdreg s24  }
0xaf: {  	[dreg:$0x3] =	wrdreg $0x9  }
0xb0: {  	_ =	task.clear_ibuf [dreg:s6], $0x4FFFF;
	_ =	strace $0x90000046  }
0xb1: {  	s29 =	simm.s32 $0x9;
	_ =	strace $0x80000048  }
0xb2: {  	_ =	swait.ge [sflag:s29], $0x1  }
0xb3: {  	[sflag:s29] =	ssyncadd.s32 $0xFFFFFFFF  }
0xb4: {  	_ =	strace $0x90000048  }
0xb5: {  	_ =	sfence  }
0xb6: {  	s30 =	sld [smem:$0x0];
	_ =	sdelay $0x2  }
0xb7: {  	s31 =	sshll.u32 s1, $0xD;
	s1 =	sshrl.u32 s1, $0x2  }
0xb8: {  	s3 =	sand.u32 $0x4000, s31;
	s1 =	sadd.s32 s1, s30  }
0xb9: {  	s0 =	sor.u32 s3, s0;
	s1 =	sshll.u32 s1, $0x11  }
0xba: {  	s0 =	sor.u32 s1, s0  }
0xbb: {  	s0 =	sadd.s32 $0x8F2B, s0  }
0xbc: {  	[sflag:s0] =	ssyncadd.remote.s32 $0x1  }
0xbd: {  	_ =	sfence.sel $0xFFFF  }
0xbe: {  	[dreg:$0x0] =	wrdreg $0xFFFFFFFF;
	(pc) =	sbr.abs _section_cstart, $3  }
0xbf: {  	[dreg:$0x1] =	wrdreg $0xFFFFFFFF  }
0xc0: {  	_ =	task.clear_ibuf [dreg:s6], $0x2FFFF;
	_ =	strace $0x9FFFFFFF  }
0xc1: {  	(tm) =	ssettm $0x7FFFFFFF  }
tec
execute0_lowered:
.L_overlay_start_1:
0x0: {  	(tag) =	ssettag $0x1  }
0x1: {  	s0 =	rddreg [dreg:$0x0]  }
0x2: {  	s1 =	srdreg.scid;
	s3 =	stileid.u32  }
0x3: {  	s2 =	simm.s32 $0x0;
	s7 =	simm.s32 $0x2;
	s8 =	simm.s32 $0x80  }
0x4: {  	s17 =	simm.s32 $0x280;
	s18 =	simm.s32 $0x2E40;
	s19 =	simm.s32 $0x300  }
0x5: {  	s20 =	simm.s32 $0x3640;
	s21 =	simm.s32 $0x380;
	s22 =	simm.s32 $0x3E40  }
0x6: {  	s23 =	simm.s32 $0x400;
	s24 =	simm.s32 $0x4640;
	s25 =	simm.s32 $0x480  }
0x7: {  	s26 =	simm.s32 $0x4E40;
	s28 =	simm.s32 $0x500;
	s29 =	simm.s32 $0x5640  }
0x8: {  	s30 =	simm.s32 $0x580;
	s31 =	simm.s32 $0x5E40;
	s9 =	simm.s32 $0x6640  }
0x9: {  	s10 =	simm.s32 $0x1;
	s1 =	sand.u32 $0x1, s1;
	s3 =	sshll.u32 s3, $0x1  }
0xa: {  	s11 =	simm.s32 $0x6A40;
	s12 =	simm.s32 $0x0;
	s4 =	sor.u32 s1, s3  }
0xb: {  	[smem:$0x7FF] =	sst s2;
	s1 =	ssub.s32 $0x2, s1;
	s5 =	smul.u32 $0xC8, s4  }
0xc: {  	_ =	strace $0x80000047;
	s3 =	sadd.s32 $0x2800, s0;
	s6 =	sshrl.u32 s1, $0x1  }
0xd: {  	s4 =	sshll.u32 s4, $0x6;
	s1 =	ssub.s32 s1, s6;
	s5 =	sadd.s32 s5, s0  }
0xe: {  	s0 =	sadd.s32 s4, s0;
	s6 =	smax.u32 s1, $0x1;
	s1 =	simm.s32 $0x600  }
0xf: {  	s4 =	sadd.s32 $0xE00, s5;
	s5 =	sadd.s32 $0x33600, s0;
	s0 =	simm.s32 $0x40  }
.LBB2_1:
0x10: {  	[tilespmem:s2], [sflag:$0x2] =	stream.linear.gather [hbm4b:s4+s2], $0x640, $0x38;
	[tilespmem:$0x6C40] =	vst v63  }
0x11: {  	_ =	swait.ge [sflag:s7], $0x640  }
0x12: {  	[sflag:s7] =	ssyncset.done $0x0  }
0x13: {  	s13 =	simm.s32 $0x640;
	[sflag:s7] =	ssyncadd.s32 $0xFFFFF9C0  }
0x14: {  	[tilespmem:s13], [sflag:$0x1] =	stream.indirect.gather [hbm4b:s3+s8], $0x10, s2, s8, $0xb8;
	[tilespmem:$0x6C40] =	vst v63  }
0x15: {  	s15 =	simm.s32 $0xE40  }
0x16: {  	[tilespmem:s15], [sflag:$0x1] =	stream.indirect.gather [hbm4b:s3+s8], $0x10, s8, s8, $0xb8;
	[tilespmem:$0x6C40] =	vst v63  }
0x17: {  	s16 =	simm.s32 $0x100;
	s14 =	simm.s32 $0x1640  }
0x18: {  	[tilespmem:s14], [sflag:$0x1] =	stream.indirect.gather [hbm4b:s3+s8], $0x10, s16, s8, $0xb8;
	[tilespmem:$0x6C40] =	vst v63  }
0x19: {  	s15 =	simm.s32 $0x180;
	s16 =	simm.s32 $0x1E40  }
0x1a: {  	[tilespmem:s16], [sflag:$0x1] =	stream.indirect.gather [hbm4b:s3+s8], $0x10, s15, s8, $0xb8;
	[tilespmem:$0x6C40] =	vst v63  }
0x1b: {  	s15 =	simm.s32 $0x200;
	s16 =	simm.s32 $0x2640  }
0x1c: {  	[tilespmem:s16], [sflag:$0x1] =	stream.indirect.gather [hbm4b:s3+s8], $0x10, s15, s8, $0xb8;
	[tilespmem:$0x6C40] =	vst v63  }
0x1d: {  	_ = 	snop  }
0x1e: {  	[tilespmem:s18], [sflag:$0x1] =	stream.indirect.gather [hbm4b:s3+s8], $0x10, s17, s8, $0xb8;
	[tilespmem:$0x6C40] =	vst v63  }
0x1f: {  	_ = 	snop  }
0x20: {  	[tilespmem:s20], [sflag:$0x1] =	stream.indirect.gather [hbm4b:s3+s8], $0x10, s19, s8, $0xb8;
	[tilespmem:$0x6C40] =	vst v63  }
0x21: {  	_ = 	snop  }
0x22: {  	[tilespmem:s22], [sflag:$0x1] =	stream.indirect.gather [hbm4b:s3+s8], $0x10, s21, s8, $0xb8;
	[tilespmem:$0x6C40] =	vst v63  }
0x23: {  	_ = 	snop  }
0x24: {  	[tilespmem:s24], [sflag:$0x1] =	stream.indirect.gather [hbm4b:s3+s8], $0x10, s23, s8, $0xb8;
	[tilespmem:$0x6C40] =	vst v63  }
0x25: {  	_ = 	snop  }
0x26: {  	[tilespmem:s26], [sflag:$0x1] =	stream.indirect.gather [hbm4b:s3+s8], $0x10, s25, s8, $0xb8;
	[tilespmem:$0x6C40] =	vst v63  }
0x27: {  	_ = 	snop  }
0x28: {  	[tilespmem:s29], [sflag:$0x1] =	stream.indirect.gather [hbm4b:s3+s8], $0x10, s28, s8, $0xb8;
	[tilespmem:$0x6C40] =	vst v63  }
0x29: {  	_ = 	snop  }
0x2a: {  	[tilespmem:s31], [sflag:$0x1] =	stream.indirect.gather [hbm4b:s3+s8], $0x10, s30, s8, $0xb8;
	[tilespmem:$0x6C40] =	vst v63  }
0x2b: {  	_ = 	snop  }
0x2c: {  	[tilespmem:s9], [sflag:$0x1] =	stream.indirect.gather [hbm4b:s3+s0], $0x10, s1, s0, $0xb8;
	[tilespmem:$0x6C40] =	vst v63  }
0x2d: {  	_ =	swait.ge [sflag:s10], $0x800  }
0x2e: {  	[sflag:s10] =	ssyncset.done $0x0  }
0x2f: {  	[sflag:s10] =	ssyncadd.s32 $0xFFFFF800  }
0x30: {  	_ =	swait.ge [sflag:s10], $0x800  }
0x31: {  	[sflag:s10] =	ssyncset.done $0x0  }
0x32: {  	[sflag:s10] =	ssyncadd.s32 $0xFFFFF800  }
0x33: {  	_ =	swait.ge [sflag:s10], $0x800  }
0x34: {  	[sflag:s10] =	ssyncset.done $0x0  }
0x35: {  	[sflag:s10] =	ssyncadd.s32 $0xFFFFF800  }
0x36: {  	_ =	swait.ge [sflag:s10], $0x800  }
0x37: {  	[sflag:s10] =	ssyncset.done $0x0  }
0x38: {  	[sflag:s10] =	ssyncadd.s32 $0xFFFFF800  }
0x39: {  	_ =	swait.ge [sflag:s10], $0x800  }
0x3a: {  	[sflag:s10] =	ssyncset.done $0x0  }
0x3b: {  	[sflag:s10] =	ssyncadd.s32 $0xFFFFF800  }
0x3c: {  	_ =	swait.ge [sflag:s10], $0x800  }
0x3d: {  	[sflag:s10] =	ssyncset.done $0x0  }
0x3e: {  	[sflag:s10] =	ssyncadd.s32 $0xFFFFF800  }
0x3f: {  	_ =	swait.ge [sflag:s10], $0x800  }
0x40: {  	[sflag:s10] =	ssyncset.done $0x0  }
0x41: {  	[sflag:s10] =	ssyncadd.s32 $0xFFFFF800  }
0x42: {  	_ =	swait.ge [sflag:s10], $0x800  }
0x43: {  	[sflag:s10] =	ssyncset.done $0x0  }
0x44: {  	[sflag:s10] =	ssyncadd.s32 $0xFFFFF800  }
0x45: {  	_ =	swait.ge [sflag:s10], $0x800  }
0x46: {  	[sflag:s10] =	ssyncset.done $0x0  }
0x47: {  	[sflag:s10] =	ssyncadd.s32 $0xFFFFF800  }
0x48: {  	_ =	swait.ge [sflag:s10], $0x800  }
0x49: {  	[sflag:s10] =	ssyncset.done $0x0  }
0x4a: {  	[sflag:s10] =	ssyncadd.s32 $0xFFFFF800  }
0x4b: {  	_ =	swait.ge [sflag:s10], $0x800  }
0x4c: {  	[sflag:s10] =	ssyncset.done $0x0  }
0x4d: {  	[sflag:s10] =	ssyncadd.s32 $0xFFFFF800  }
0x4e: {  	_ =	swait.ge [sflag:s10], $0x800  }
0x4f: {  	[sflag:s10] =	ssyncset.done $0x0  }
0x50: {  	[sflag:s10] =	ssyncadd.s32 $0xFFFFF800  }
0x51: {  	_ =	swait.ge [sflag:s10], $0x400  }
0x52: {  	[sflag:s10] =	ssyncset.done $0x0  }
0x53: {  	s13 =	simm.s32 $0x7D0;
	[sflag:s10] =	ssyncadd.s32 $0xFFFFFC00  }
0x54: {  	v0 =	vld [tilespmem:s13+$0xFFFFFE80]  }
0x55: {  	s14 =	simm.s32 $0x0;
	s15 =	simm.s32 $0x40;
	v1 =	vld [tilespmem:s13+$0xFFFFFE70]  }
.LBB2_2:
0x56: {  	p0 =	sne.s32 s15, $0x7C0  }
0x57: {  	v2 =	vld [tilespmem:s13+$0xFFFFFE90];
	_ =	sdelay $0x1  }
0x58: {  	v3 =	vld [tilespmem:s13+$0xFFFFFEA0]  }
0x59: {  	v0 =	vadd.f32 v0, v1  }
0x5a: {  	v1 =	vld [tilespmem:s13+$0xFFFFFEB0]  }
0x5b: {  	v0 =	vadd.f32 v2, v0  }
0x5c: {  	v2 =	vld [tilespmem:s13+$0xFFFFFEC0]  }
0x5d: {  	v0 =	vadd.f32 v3, v0  }
0x5e: {  	v3 =	vld [tilespmem:s13+$0xFFFFFED0]  }
0x5f: {  	v0 =	vadd.f32 v1, v0  }
0x60: {  	v1 =	vld [tilespmem:s13+$0xFFFFFEE0]  }
0x61: {  	v0 =	vadd.f32 v2, v0  }
0x62: {  	v2 =	vld [tilespmem:s13+$0xFFFFFEF0]  }
0x63: {  	v0 =	vadd.f32 v3, v0  }
0x64: {  	v3 =	vld [tilespmem:s13+$0xFFFFFF00]  }
0x65: {  	v0 =	vadd.f32 v1, v0  }
0x66: {  	v1 =	vld [tilespmem:s13+$0xFFFFFF10]  }
0x67: {  	v0 =	vadd.f32 v2, v0  }
0x68: {  	v2 =	vld [tilespmem:s13+$0xFFFFFF20]  }
0x69: {  	v0 =	vadd.f32 v3, v0  }
0x6a: {  	v3 =	vld [tilespmem:s13+$0xFFFFFF30]  }
0x6b: {  	v0 =	vadd.f32 v1, v0  }
0x6c: {  	v1 =	vld [tilespmem:s13+$0xFFFFFF40]  }
0x6d: {  	v0 =	vadd.f32 v2, v0  }
0x6e: {  	v2 =	vld [tilespmem:s13+$0xFFFFFF50]  }
0x6f: {  	v0 =	vadd.f32 v3, v0  }
0x70: {  	v3 =	vld [tilespmem:s13+$0xFFFFFF60]  }
0x71: {  	v0 =	vadd.f32 v1, v0  }
0x72: {  	v1 =	vld [tilespmem:s13+$0xFFFFFF70]  }
0x73: {  	v0 =	vadd.f32 v2, v0  }
0x74: {  	v2 =	vld [tilespmem:s13+$0xFFFFFF80]  }
0x75: {  	v0 =	vadd.f32 v3, v0  }
0x76: {  	v3 =	vld [tilespmem:s13+$0xFFFFFF90]  }
0x77: {  	v0 =	vadd.f32 v1, v0  }
0x78: {  	v1 =	vld [tilespmem:s13+$0xFFFFFFA0]  }
0x79: {  	v0 =	vadd.f32 v2, v0  }
0x7a: {  	v2 =	vld [tilespmem:s13+$0xFFFFFFB0]  }
0x7b: {  	v0 =	vadd.f32 v3, v0  }
0x7c: {  	v3 =	vld [tilespmem:s13+$0xFFFFFFC0]  }
0x7d: {  	v0 =	vadd.f32 v1, v0  }
0x7e: {  	v1 =	vld [tilespmem:s13+$0xFFFFFFD0]  }
0x7f: {  	v0 =	vadd.f32 v2, v0  }
0x80: {  	v2 =	vld [tilespmem:s13+$0xFFFFFFE0]  }
0x81: {  	v0 =	vadd.f32 v3, v0  }
0x82: {  	v3 =	vld [tilespmem:s13+$0xFFFFFFF0]  }
0x83: {  	v0 =	vadd.f32 v1, v0  }
0x84: {  	v1 =	vld [tilespmem:s13+$0x0]  }
0x85: {  	v0 =	vadd.f32 v2, v0  }
0x86: {  	v2 =	vld [tilespmem:s13+$0x10]  }
0x87: {  	v0 =	vadd.f32 v3, v0  }
0x88: {  	v3 =	vld [tilespmem:s13+$0x20]  }
0x89: {  	v0 =	vadd.f32 v1, v0  }
0x8a: {  	v1 =	vld [tilespmem:s13+$0x30]  }
0x8b: {  	v0 =	vadd.f32 v2, v0  }
0x8c: {  	v2 =	vld [tilespmem:s13+$0x40]  }
0x8d: {  	v0 =	vadd.f32 v3, v0  }
0x8e: {  	v3 =	vld [tilespmem:s13+$0x50]  }
0x8f: {  	v0 =	vadd.f32 v1, v0  }
0x90: {  	v1 =	vld [tilespmem:s13+$0x60]  }
0x91: {  	v0 =	vadd.f32 v2, v0  }
0x92: {  	v2 =	vld [tilespmem:s13+$0x70]  }
0x93: {  	v0 =	vadd.f32 v3, v0  }
0x94: {  	v3 =	vld [tilespmem:s13+$0x80]  }
0x95: {  	v0 =	vadd.f32 v1, v0  }
0x96: {  	v1 =	vld [tilespmem:s13+$0x90]  }
0x97: {  	v0 =	vadd.f32 v2, v0  }
0x98: {  	v2 =	vld [tilespmem:s13+$0xA0]  }
0x99: {  	v0 =	vadd.f32 v3, v0  }
0x9a: {  	v3 =	vld [tilespmem:s13+$0xB0]  }
0x9b: {  	v0 =	vadd.f32 v1, v0  }
0x9c: {  	v1 =	vld [tilespmem:s13+$0xC0]  }
0x9d: {  	v0 =	vadd.f32 v2, v0  }
0x9e: {  	v2 =	vld [tilespmem:s13+$0xD0]  }
0x9f: {  	v0 =	vadd.f32 v3, v0  }
0xa0: {  	v3 =	vld [tilespmem:s13+$0xE0]  }
0xa1: {  	v0 =	vadd.f32 v1, v0  }
0xa2: {  	v1 =	vld [tilespmem:s13+$0xF0]  }
0xa3: {  	v0 =	vadd.f32 v2, v0  }
0xa4: {  	v2 =	vld [tilespmem:s13+$0x100]  }
0xa5: {  	v0 =	vadd.f32 v3, v0  }
0xa6: {  	v3 =	vld [tilespmem:s13+$0x110]  }
0xa7: {  	v0 =	vadd.f32 v1, v0  }
0xa8: {  	v1 =	vld [tilespmem:s13+$0x120]  }
0xa9: {  	v0 =	vadd.f32 v2, v0  }
0xaa: {  	v2 =	vld [tilespmem:s13+$0x130]  }
0xab: {  	v0 =	vadd.f32 v3, v0  }
0xac: {  	v3 =	vld [tilespmem:s13+$0x140]  }
0xad: {  	v0 =	vadd.f32 v1, v0  }
0xae: {  	v1 =	vld [tilespmem:s13+$0x150]  }
0xaf: {  	v0 =	vadd.f32 v2, v0  }
0xb0: {  	v2 =	vld [tilespmem:s13+$0x160]  }
0xb1: {  	v0 =	vadd.f32 v3, v0  }
0xb2: {  	v3 =	vld [tilespmem:s13+$0x170]  }
0xb3: {  	v0 =	vadd.f32 v1, v0  }
0xb4: {  	v1 =	vld [tilespmem:s13+$0x180]  }
0xb5: {  	v0 =	vadd.f32 v2, v0;
	_ =	sdelay $0x1  }
0xb6: {  	v0 =	vadd.f32 v3, v0;
	_ =	sdelay $0x1  }
.Ltmp0:
0xb7: {  	v0 =	vadd.f32 v1, v0;
	(pc) =	sbr.rel @p0 .LBB2_2-.Ltmp0, $4  }
0xb8: {  	s16 =	sshra.s32 s14, $0x2;
	s14 =	smov.u32 s15  }
0xb9: {  	s13 =	sadd.s32 $0x320, s13;
	[tilespmem:s16+$0x6A40] =	vst v0  }
0xba: {  	v0 =	vld [tilespmem:s13+$0xFFFFFE80]  }
0xbb: {  	s15 =	sadd.s32 $0x40, s15;
	v1 =	vld [tilespmem:s13+$0xFFFFFE70]  }
0xbc: {  	_ = 	snop  }
0xbd: {  	v2 =	vld [tilespmem:s13+$0xFFFFFE90];
	_ =	sdelay $0x1  }
0xbe: {  	v3 =	vld [tilespmem:s13+$0xFFFFFEA0]  }
0xbf: {  	v0 =	vadd.f32 v0, v1  }
0xc0: {  	v18 =	vld [tilespmem:s13+$0xFFFFFEB0]  }
0xc1: {  	v0 =	vadd.f32 v2, v0  }
0xc2: {  	v19 =	vld [tilespmem:s13+$0xFFFFFEC0]  }
0xc3: {  	v0 =	vadd.f32 v3, v0  }
0xc4: {  	v20 =	vld [tilespmem:s13+$0xFFFFFED0]  }
0xc5: {  	v0 =	vadd.f32 v18, v0  }
0xc6: {  	v21 =	vld [tilespmem:s13+$0xFFFFFEE0]  }
0xc7: {  	v0 =	vadd.f32 v19, v0  }
0xc8: {  	v22 =	vld [tilespmem:s13+$0xFFFFFEF0]  }
0xc9: {  	v0 =	vadd.f32 v20, v0  }
0xca: {  	v23 =	vld [tilespmem:s13+$0xFFFFFF00]  }
0xcb: {  	v0 =	vadd.f32 v21, v0  }
0xcc: {  	v24 =	vld [tilespmem:s13+$0xFFFFFF10]  }
0xcd: {  	v0 =	vadd.f32 v22, v0  }
0xce: {  	v25 =	vld [tilespmem:s13+$0xFFFFFF20]  }
0xcf: {  	v0 =	vadd.f32 v23, v0  }
0xd0: {  	v26 =	vld [tilespmem:s13+$0xFFFFFF30]  }
0xd1: {  	v0 =	vadd.f32 v24, v0  }
0xd2: {  	v27 =	vld [tilespmem:s13+$0xFFFFFF40]  }
0xd3: {  	v0 =	vadd.f32 v25, v0  }
0xd4: {  	v28 =	vld [tilespmem:s13+$0xFFFFFF50]  }
0xd5: {  	v0 =	vadd.f32 v26, v0  }
0xd6: {  	v29 =	vld [tilespmem:s13+$0xFFFFFF60]  }
0xd7: {  	v0 =	vadd.f32 v27, v0  }
0xd8: {  	v30 =	vld [tilespmem:s13+$0xFFFFFF70]  }
0xd9: {  	v0 =	vadd.f32 v28, v0  }
0xda: {  	v31 =	vld [tilespmem:s13+$0xFFFFFF80]  }
0xdb: {  	v0 =	vadd.f32 v29, v0  }
0xdc: {  	v32 =	vld [tilespmem:s13+$0xFFFFFF90]  }
0xdd: {  	v0 =	vadd.f32 v30, v0  }
0xde: {  	v33 =	vld [tilespmem:s13+$0xFFFFFFA0]  }
0xdf: {  	v0 =	vadd.f32 v31, v0  }
0xe0: {  	v34 =	vld [tilespmem:s13+$0xFFFFFFB0]  }
0xe1: {  	v0 =	vadd.f32 v32, v0  }
0xe2: {  	v35 =	vld [tilespmem:s13+$0xFFFFFFC0]  }
0xe3: {  	v0 =	vadd.f32 v33, v0  }
0xe4: {  	v36 =	vld [tilespmem:s13+$0xFFFFFFD0]  }
0xe5: {  	v0 =	vadd.f32 v34, v0  }
0xe6: {  	v37 =	vld [tilespmem:s13+$0xFFFFFFE0]  }
0xe7: {  	v0 =	vadd.f32 v35, v0  }
0xe8: {  	v38 =	vld [tilespmem:s13+$0xFFFFFFF0]  }
0xe9: {  	v0 =	vadd.f32 v36, v0  }
0xea: {  	v39 =	vld [tilespmem:s13+$0x0]  }
0xeb: {  	v0 =	vadd.f32 v37, v0  }
0xec: {  	v40 =	vld [tilespmem:s13+$0x10]  }
0xed: {  	v0 =	vadd.f32 v38, v0  }
0xee: {  	v41 =	vld [tilespmem:s13+$0x20]  }
0xef: {  	v0 =	vadd.f32 v39, v0  }
0xf0: {  	v42 =	vld [tilespmem:s13+$0x30]  }
0xf1: {  	v0 =	vadd.f32 v40, v0  }
0xf2: {  	v43 =	vld [tilespmem:s13+$0x40]  }
0xf3: {  	v0 =	vadd.f32 v41, v0  }
0xf4: {  	v44 =	vld [tilespmem:s13+$0x50]  }
0xf5: {  	v0 =	vadd.f32 v42, v0  }
0xf6: {  	v45 =	vld [tilespmem:s13+$0x60]  }
0xf7: {  	v0 =	vadd.f32 v43, v0  }
0xf8: {  	v46 =	vld [tilespmem:s13+$0x70]  }
0xf9: {  	v0 =	vadd.f32 v44, v0  }
0xfa: {  	v47 =	vld [tilespmem:s13+$0x80]  }
0xfb: {  	v0 =	vadd.f32 v45, v0  }
0xfc: {  	v48 =	vld [tilespmem:s13+$0x90]  }
0xfd: {  	v0 =	vadd.f32 v46, v0  }
0xfe: {  	v49 =	vld [tilespmem:s13+$0xA0]  }
0xff: {  	v0 =	vadd.f32 v47, v0  }
0x100: {  	v50 =	vld [tilespmem:s13+$0xB0]  }
0x101: {  	v0 =	vadd.f32 v48, v0  }
0x102: {  	v51 =	vld [tilespmem:s13+$0xC0]  }
0x103: {  	v0 =	vadd.f32 v49, v0  }
0x104: {  	v52 =	vld [tilespmem:s13+$0xD0]  }
0x105: {  	v0 =	vadd.f32 v50, v0  }
0x106: {  	v53 =	vld [tilespmem:s13+$0xE0]  }
0x107: {  	v0 =	vadd.f32 v51, v0  }
0x108: {  	v54 =	vld [tilespmem:s13+$0xF0]  }
0x109: {  	v0 =	vadd.f32 v52, v0  }
0x10a: {  	v55 =	vld [tilespmem:s13+$0x100]  }
0x10b: {  	v0 =	vadd.f32 v53, v0  }
0x10c: {  	v56 =	vld [tilespmem:s13+$0x110]  }
0x10d: {  	v0 =	vadd.f32 v54, v0  }
0x10e: {  	v57 =	vld [tilespmem:s13+$0x120]  }
0x10f: {  	v0 =	vadd.f32 v55, v0  }
0x110: {  	v58 =	vld [tilespmem:s13+$0x130]  }
0x111: {  	v0 =	vadd.f32 v56, v0  }
0x112: {  	v59 =	vld [tilespmem:s13+$0x140]  }
0x113: {  	v0 =	vadd.f32 v57, v0  }
0x114: {  	v60 =	vld [tilespmem:s13+$0x150]  }
0x115: {  	v0 =	vadd.f32 v58, v0  }
0x116: {  	v61 =	vld [tilespmem:s13+$0x160]  }
0x117: {  	v0 =	vadd.f32 v59, v0  }
0x118: {  	v62 =	vld [tilespmem:s13+$0x170]  }
0x119: {  	v0 =	vadd.f32 v60, v0  }
0x11a: {  	v63 =	vld [tilespmem:s13+$0x180]  }
0x11b: {  	v0 =	vadd.f32 v61, v0;
	_ =	sdelay $0x1  }
0x11c: {  	v0 =	vadd.f32 v62, v0;
	_ =	sdelay $0x1  }
0x11d: {  	s12 =	sadd.s32 $0x1, s12;
	v0 =	vadd.f32 v63, v0  }
0x11e: {  	s16 =	sshra.s32 s14, $0x2;
	p0 =	sne.s32 s12, s6  }
.Ltmp1:
0x11f: {  	[tilespmem:s16+$0x6A40] =	vst v0;
	(pc) =	sbr.rel @p0 .LBB2_1-.Ltmp1, $4  }
0x120: {  	[hbm4b:s5+s2] =	stream.linear.scatter [tilespmem:s11], [sflag:$0x2], $0x200, $0x38;
	[tilespmem:$0x6C40] =	vst v63  }
0x121: {  	_ =	swait.ge [sflag:s7], $0x200  }
0x122: {  	[sflag:s7] =	ssyncset.done $0x0  }
0x123: {  	[sflag:s7] =	ssyncadd.s32 $0xFFFFFE00  }
0x124: {  	_ =	sfence.sel $0x180000  }
0x125: {  	[bflag:$0x0] =	sbarrier.arrive $0xFFFF  }
0x126: {  	_ =	strace $0x90000047  }
0x127: {  	s0 =	stileid.u32;
	[bflag:$0x2] =	sbarrier.arrive $0xFFFF  }
0x128: {  	p0 =	sne.s32 s0, $0x0;
	s0 =	rddreg [dreg:$0x1]  }
0x129: {  	s0 =	sadd.s32 @!p0 $0x100000, s0  }
0x12a: {  	[sflag:s0] =	ssyncadd.tile.s32 @!p0 $0x1;
	_ =	shalt  }
.Lfunc_end2:
_tile_overlayer_lowered:
.L_overlay_start_2:
0x12b: {  	(tag) =	ssettag $0x2  }
0x12c: {  	s0 =	rddreg [dreg:$0x0];
	s2 =	stileid.u32  }
0x12d: {  	s1 =	rddreg [dreg:$0x1];
	p0 =	sne.s32 s2, $0x0  }
0x12e: {  	s3 =	rddreg [dreg:$0x2];
	[bflag:$0x3] =	sbarrier.arrive $0xFFFF;
	s2 =	simm.s32 @!p0 $0x1C02  }
0x12f: {  	[timem:s3], [sflag:s2] =	dma.local @!p0 [hbm:s0], s1  }
0x130: {  	s0 =	simm.s32 @!p0 $0x2  }
0x131: {  	_ =	swait.ge @!p0 [sflag:s0], s1  }
0x132: {  	s1 =	ssub.s32 @!p0 $0x0, s1;
	[sflag:s0] =	ssyncset.done @!p0 $0x0  }
0x133: {  	[sflag:s0] =	ssyncadd.s32 @!p0 s1  }
0x134: {  	[bflag:$0x3] =	sbarrier.arrive $0xFFFF  }
0x135: {  	_ =	shalt  }

</sc_bundles>
